<compile_context>
chip_gen: v7x
topology: tpu7x:2x2x1
jax: 0.10.2.dev20260603
libtpu: 0.0.44.dev20260713+nightly
codegen_flags: <defaults>
</compile_context>

<pallas_src>
import functools

import jax
import jax.numpy as jnp
from jax import lax
from jax.experimental import pallas as pl
from jax.experimental.pallas import tpu as pltpu
from jax.experimental.pallas import tpu_sc as plsc

N = 10000
D = 256
E = 160000
NP = 10240
BLK = 1024
GRID = NP // BLK

NC = 2
NS = 16
COLS = 128
CHUNK = 128
NCHUNK = 79
NCHUNK_D = 40
EPT_D = NCHUNK_D * CHUNK
E_PAD_D = NC * NS * EPT_D
DW = 16
ROWS_PT = NP // NS
RCHUNK = ROWS_PT // CHUNK

_MESH = plsc.VectorSubcoreMesh(
    core_axis_name="c", subcore_axis_name="s", num_cores=NC, num_subcores=NS)


@functools.partial(
    pl.kernel,
    out_type=[jax.ShapeDtypeStruct((NP, DW), jnp.float32)] * NC,
    mesh=_MESH,
    scratch_types=[
        pltpu.VMEM((NCHUNK_D, CHUNK), jnp.int32),
        pltpu.VMEM((CHUNK, DW), jnp.float32),
        pltpu.VMEM_SHARED((NP, DW), jnp.float32),
    ],
)
def _deg_kernel(dst_hbm, out0, out1, dst_v, buf, hist):
    c = lax.axis_index("c")
    s = lax.axis_index("s")
    wid = c * NS + s
    pltpu.sync_copy(dst_hbm.at[wid], dst_v)
    base = s * ROWS_PT

    def fill(val):
        def fbody(r, carry):
            buf[r] = jnp.full((DW,), val, jnp.float32)
            return carry
        lax.fori_loop(0, CHUNK, fbody, 0)

    def run(o_hbm):
        fill(0.0)

        def zbody(k, carry):
            pltpu.sync_copy(buf, hist.at[pl.ds(base + k * CHUNK, CHUNK)])
            return carry
        lax.fori_loop(0, RCHUNK, zbody, 0)
        plsc.subcore_barrier()

        fill(1.0)

        def ebody(j, carry):
            pltpu.sync_copy(buf, hist.at[dst_v.at[j]], add=True)
            return carry
        lax.fori_loop(0, NCHUNK_D, ebody, 0)
        plsc.subcore_barrier()

        def obody(k, carry):
            rows = pl.ds(base + k * CHUNK, CHUNK)
            pltpu.sync_copy(hist.at[rows], buf)
            pltpu.sync_copy(buf, o_hbm.at[rows])
            return carry
        lax.fori_loop(0, RCHUNK, obody, 0)

    @pl.when(c == 0)
    def _():
        run(out0)

    @pl.when(c == 1)
    def _():
        run(out1)


def _mm_body(seq1_ref, seq2_ref, w_ref, h1_ref, h2_ref):
    w = w_ref[...]
    h1_ref[...] = jnp.dot(seq1_ref[...], w,
                          preferred_element_type=jnp.float32)
    h2_ref[...] = jnp.dot(seq2_ref[...], w,
                          preferred_element_type=jnp.float32)


_hmat = jax.ShapeDtypeStruct((NP, D), jnp.float32)
_mm_call = pl.pallas_call(
    _mm_body,
    grid=(GRID,),
    in_specs=[
        pl.BlockSpec((BLK, D), lambda i: (i, 0)),
        pl.BlockSpec((BLK, D), lambda i: (i, 0)),
        pl.BlockSpec((D, D), lambda i: (0, 0)),
    ],
    out_specs=[pl.BlockSpec((BLK, D), lambda i: (i, 0))] * 2,
    out_shape=[_hmat, _hmat],
)


def _scale_body(h1_ref, h2_ref, deg0_ref, deg1_ref,
                t0_ref, t1_ref, t2_ref, t3_ref, dinv_ref):
    deg = deg0_ref[...][:, 0] + deg1_ref[...][:, 0] + 1.0
    dinv = lax.rsqrt(deg)
    g1 = h1_ref[...] * dinv[:, None]
    g2 = h2_ref[...] * dinv[:, None]
    t0_ref[...] = g1[:, :COLS]
    t1_ref[...] = g1[:, COLS:]
    t2_ref[...] = g2[:, :COLS]
    t3_ref[...] = g2[:, COLS:]
    dinv_ref[...] = dinv


_tab = jax.ShapeDtypeStruct((NP, COLS), jnp.float32)
_scale_call = pl.pallas_call(
    _scale_body,
    grid=(GRID,),
    in_specs=[
        pl.BlockSpec((BLK, D), lambda i: (i, 0)),
        pl.BlockSpec((BLK, D), lambda i: (i, 0)),
        pl.BlockSpec((BLK, DW), lambda i: (i, 0)),
        pl.BlockSpec((BLK, DW), lambda i: (i, 0)),
    ],
    out_specs=[pl.BlockSpec((BLK, COLS), lambda i: (i, 0))] * 4
    + [pl.BlockSpec((BLK,), lambda i: (i,))],
    out_shape=[_tab] * 4 + [jax.ShapeDtypeStruct((NP,), jnp.float32)],
)


@functools.partial(
    pl.kernel,
    out_type=[_tab] * 4,
    mesh=_MESH,
    scratch_types=[
        pltpu.VMEM((NCHUNK, CHUNK), jnp.int32),
        pltpu.VMEM((NCHUNK, CHUNK), jnp.int32),
        pltpu.VMEM((CHUNK, COLS), jnp.float32),
        pltpu.VMEM_SHARED((NP, COLS), jnp.float32),
        pltpu.SemaphoreType.DMA,
    ],
)
def _agg_kernel(t0, t1, t2, t3, src_hbm, dst_hbm,
                o0, o1, o2, o3, src_v, dst_v, buf, acc, gsem):
    c = lax.axis_index("c")
    s = lax.axis_index("s")
    pltpu.sync_copy(src_hbm.at[s], src_v)
    pltpu.sync_copy(dst_hbm.at[s], dst_v)
    base = s * ROWS_PT

    def rows_of(k):
        return pl.ds(base + k * CHUNK, CHUNK)

    def run_pass(t_hbm, o_hbm):
        def ibody(k, carry):
            rows = rows_of(k)
            pltpu.sync_copy(t_hbm.at[rows], buf)
            pltpu.sync_copy(buf, acc.at[rows])
            return carry
        lax.fori_loop(0, RCHUNK, ibody, 0)
        plsc.subcore_barrier()

        def ebody(j, carry):
            pltpu.async_copy(t_hbm.at[src_v.at[j]], buf, gsem).wait()
            pltpu.sync_copy(buf, acc.at[dst_v.at[j]], add=True)
            return carry
        lax.fori_loop(0, NCHUNK, ebody, 0)
        plsc.subcore_barrier()

        def obody(k, carry):
            rows = rows_of(k)
            pltpu.sync_copy(acc.at[rows], buf)
            pltpu.sync_copy(buf, o_hbm.at[rows])
            return carry
        lax.fori_loop(0, RCHUNK, obody, 0)

    @pl.when(c == 0)
    def _():
        run_pass(t0, o0)
        run_pass(t1, o1)

    @pl.when(c == 1)
    def _():
        run_pass(t2, o2)
        run_pass(t3, o3)


def _final_body(o0_ref, o1_ref, o2_ref, o3_ref, dinv_ref, h3_ref, mask_ref,
                bg_ref, wl_ref, bl_ref, sc1_ref, sc2_ref):
    dinv = dinv_ref[...]
    wsum = jnp.sum(wl_ref[...], axis=1)
    bsum = jnp.sum(bl_ref[...])
    bg = bg_ref[...]
    acc1 = jnp.concatenate([o0_ref[...], o1_ref[...]], axis=1)
    h1 = jnp.maximum(acc1 * dinv[:, None] + bg[None, :], 0.0)
    acc2 = jnp.concatenate([o2_ref[...], o3_ref[...]], axis=1)
    h2 = jnp.maximum(acc2 * dinv[:, None] + bg[None, :], 0.0)
    h2 = jnp.where(mask_ref[...][:, None] > 0.0, h3_ref[...], h2)
    sc1_ref[...] = jnp.sum(h1 * wsum[None, :], axis=1) + bsum
    sc2_ref[...] = jnp.sum(h2 * wsum[None, :], axis=1) + bsum


_final_call = pl.pallas_call(
    _final_body,
    grid=(GRID,),
    in_specs=[pl.BlockSpec((BLK, COLS), lambda i: (i, 0))] * 4
    + [
        pl.BlockSpec((BLK,), lambda i: (i,)),
        pl.BlockSpec((BLK, D), lambda i: (i, 0)),
        pl.BlockSpec((BLK,), lambda i: (i,)),
        pl.BlockSpec((D,), lambda i: (0,)),
        pl.BlockSpec((D, D), lambda i: (0, 0)),
        pl.BlockSpec((D,), lambda i: (0,)),
    ],
    out_specs=[
        pl.BlockSpec((BLK,), lambda i: (i,)),
        pl.BlockSpec((BLK,), lambda i: (i,)),
    ],
    out_shape=[jax.ShapeDtypeStruct((NP,), jnp.float32),
               jax.ShapeDtypeStruct((NP,), jnp.float32)],
)


def kernel(seq1, seq2, h_3, edge_index, W_gcn, b_gcn, W_lin, b_lin):
    src = edge_index[0]
    dst = edge_index[1]
    fill_d = jnp.full((E_PAD_D - E,), N, dtype=jnp.int32)
    dst_d = jnp.concatenate([dst, fill_d]).reshape(NC * NS, NCHUNK_D, CHUNK)

    deg0, deg1 = _deg_kernel(dst_d)

    seq1p = jnp.pad(seq1, ((0, NP - N), (0, 0)))
    seq2p = jnp.pad(seq2, ((0, NP - N), (0, 0)))
    h1, h2 = _mm_call(seq1p, seq2p, W_gcn)
    t0, t1, t2, t3, dinvp = _scale_call(h1, h2, deg0, deg1)

    fill_a = jnp.full((NS * NCHUNK * CHUNK - E,), N, dtype=jnp.int32)
    src_a = jnp.concatenate([src, fill_a]).reshape(NS, NCHUNK, CHUNK)
    dst_a = jnp.concatenate([dst, fill_a]).reshape(NS, NCHUNK, CHUNK)
    o0, o1, o2, o3 = _agg_kernel(t0, t1, t2, t3, src_a, dst_a)

    s = jax.random.uniform(jax.random.key(42), (N,), dtype=jnp.float32)
    maskp = jnp.pad((s > 0.5).astype(jnp.float32), (0, NP - N))
    h3p = jnp.pad(h_3, ((0, NP - N), (0, 0)))
    sc1p, sc2p = _final_call(o0, o1, o2, o3, dinvp, h3p, maskp,
                             b_gcn, W_lin, b_lin)
    return jnp.concatenate([sc1p[:N], sc2p[:N]])

# --- scband reference (transcript-rebuilt; emitter-appended) ---
"""Pipeline reference for scband-ggd-16819091931357 (READ-ONLY COPY).

The authoritative reference and input builder live on the scoring server;
editing this copy changes nothing except your own understanding.
"""

import jax, jax.numpy as jnp
import numpy as np

N = 10000
D_IN = 256
D_H = 256
E = 160000


def setup_inputs(seed: int = 0) -> dict:
    key = jax.random.key(seed)
    ks = jax.random.split(key, 8)
    seq1 = jax.random.normal(ks[0], (N, D_IN), dtype=jnp.float32)
    seq2 = jax.random.normal(ks[1], (N, D_IN), dtype=jnp.float32)
    h_3 = jax.random.normal(ks[2], (N, D_H), dtype=jnp.float32)
    edge_index = jax.random.randint(ks[3], (2, E), 0, N, dtype=jnp.int32)
    sg = 1.0 / np.sqrt(D_IN)
    W_gcn = jax.random.uniform(ks[4], (D_IN, D_H), dtype=jnp.float32, minval=-sg, maxval=sg)
    b_gcn = jnp.zeros((D_H,), dtype=jnp.float32)
    sl = 1.0 / np.sqrt(D_H)
    W_lin = jax.random.uniform(ks[5], (D_H, D_H), dtype=jnp.float32, minval=-sl, maxval=sl)
    b_lin = jax.random.uniform(ks[6], (D_H,), dtype=jnp.float32, minval=-sl, maxval=sl)
    return {"seq1": seq1, "seq2": seq2, "h_3": h_3, "edge_index": edge_index,
            "W_gcn": W_gcn, "b_gcn": b_gcn, "W_lin": W_lin, "b_lin": b_lin}


def _gcn_conv(x, edge_index, W, b):
    # GCNConv: add self-loops, symmetric normalization, scatter-add aggregation
    src = edge_index[0]
    dst = edge_index[1]
    loops = jnp.arange(N, dtype=src.dtype)
    src = jnp.concatenate([src, loops])
    dst = jnp.concatenate([dst, loops])
    h = x @ W
    deg = jnp.zeros((N,), dtype=jnp.float32).at[dst].add(1.0)
    dinv = jnp.where(deg > 0, 1.0 / jnp.sqrt(deg), 0.0)
    norm = dinv[src] * dinv[dst]
    msg = h[src] * norm[:, None]
    out = jnp.zeros((N, W.shape[1]), dtype=jnp.float32).at[dst].add(msg)
    return out + b


def reference(seq1, seq2, h_3, edge_index, W_gcn, b_gcn, W_lin, b_lin):
    h_1 = jax.nn.relu(_gcn_conv(seq1, edge_index, W_gcn, b_gcn))
    h_2 = jax.nn.relu(_gcn_conv(seq2, edge_index, W_gcn, b_gcn))
    # torch.rand(N) > 0.5 row-swap with h_3 (fixed key for determinism in jax)
    s = jax.random.uniform(jax.random.key(42), (N,), dtype=jnp.float32)
    mask = s > 0.5
    h_2 = jnp.where(mask[:, None], h_3, h_2)
    sc_1 = (h_1 @ W_lin + b_lin).sum(1)
    sc_2 = (h_2 @ W_lin + b_lin).sum(1)
    logits = jnp.concatenate([sc_1, sc_2])
    return logits

if __name__ == "__main__":
    import jax
    _d = setup_inputs()
    print(jax.jit(kernel)(*tuple(_d.values())))

</pallas_src>

<mosaic_0001>
#map = affine_map<(d0, d1) -> (0, 0)>
#map1 = affine_map<(d0, d1) -> (0, 0, 0)>
module attributes {stable_mosaic.version = 14 : i64} {
  func.func @_agg_kernel(%arg0: i32, %arg1: i32, %arg2: memref<10240x128xf32, #tpu.memory_space<hbm>>, %arg3: memref<10240x128xf32, #tpu.memory_space<hbm>>, %arg4: memref<10240x128xf32, #tpu.memory_space<hbm>>, %arg5: memref<10240x128xf32, #tpu.memory_space<hbm>>, %arg6: memref<16x79x128xi32, #tpu.memory_space<hbm>>, %arg7: memref<16x79x128xi32, #tpu.memory_space<hbm>>, %arg8: memref<10240x128xf32, #tpu.memory_space<hbm>>, %arg9: memref<10240x128xf32, #tpu.memory_space<hbm>>, %arg10: memref<10240x128xf32, #tpu.memory_space<hbm>>, %arg11: memref<10240x128xf32, #tpu.memory_space<hbm>>, %arg12: memref<79x128xi32, #tpu.memory_space<vmem>>, %arg13: memref<79x128xi32, #tpu.memory_space<vmem>>, %arg14: memref<128x128xf32, #tpu.memory_space<vmem>>, %arg15: memref<10240x128xf32, #tpu.memory_space<vmem_shared>>, %arg16: memref<!tpu.dma_semaphore, #tpu.memory_space<semaphore_mem>>) attributes {dimension_semantics = [#tpu.dimension_semantics<core_parallel>, #tpu.dimension_semantics<subcore_parallel>], iteration_bounds = array<i64: 2, 16>, scalar_prefetch = 0 : i64, scratch_operands = 5 : i64, tpu.core_type = #tpu.core_type<sc_vector_subcore>, window_params = [{transform_indices = #map}, {transform_indices = #map}, {transform_indices = #map}, {transform_indices = #map}, {transform_indices = #map1}, {transform_indices = #map1}, {transform_indices = #map}, {transform_indices = #map}, {transform_indices = #map}, {transform_indices = #map}]} {
    "tpu.region"() ({
      %run_scoped3A = tpu.sem_alloc : memref<!tpu.dma_semaphore, #tpu.memory_space<semaphore_mem>>
      %dma_start3A = arith.constant 0 : i32
      %dma_start3A_8 = arith.constant 0 : i32
      %dma_start3A_9 = tpu.memref_slice %arg6[%arg1, %dma_start3A, %dma_start3A_8] : memref<16x79x128xi32, #tpu.memory_space<hbm>> -> memref<1x79x128xi32, #tpu.memory_space<hbm>>
      %dma_start3A_10 = tpu.memref_squeeze %dma_start3A_9 : memref<1x79x128xi32, #tpu.memory_space<hbm>> -> memref<79x128xi32, #tpu.memory_space<hbm>>
      %dma_start3A_11 = arith.constant 0 : i32
      %dma_start3A_12 = arith.constant 0 : i32
      %dma_start3A_13 = tpu.memref_slice %arg6[%arg1, %dma_start3A_11, %dma_start3A_12] : memref<16x79x128xi32, #tpu.memory_space<hbm>> -> memref<1x79x128xi32, #tpu.memory_space<hbm>>
      %dma_start3A_14 = tpu.memref_squeeze %dma_start3A_13 : memref<1x79x128xi32, #tpu.memory_space<hbm>> -> memref<79x128xi32, #tpu.memory_space<hbm>>
      tpu.enqueue_dma source(%dma_start3A_14 : memref<79x128xi32, #tpu.memory_space<hbm>>) target(%arg12 : memref<79x128xi32, #tpu.memory_space<vmem>>) target_semaphore(%run_scoped3A : memref<!tpu.dma_semaphore, #tpu.memory_space<semaphore_mem>>)
      %dma_wait3A = arith.constant 0 : i32
      %dma_wait3A_15 = arith.constant 0 : i32
      %dma_wait3A_16 = tpu.memref_slice %arg6[%arg1, %dma_wait3A, %dma_wait3A_15] : memref<16x79x128xi32, #tpu.memory_space<hbm>> -> memref<1x79x128xi32, #tpu.memory_space<hbm>>
      %dma_wait3A_17 = tpu.memref_squeeze %dma_wait3A_16 : memref<1x79x128xi32, #tpu.memory_space<hbm>> -> memref<79x128xi32, #tpu.memory_space<hbm>>
      %dma_wait3A_18 = arith.constant 0 : i32
      %dma_wait3A_19 = arith.constant 0 : i32
      %dma_wait3A_20 = tpu.memref_slice %arg6[%arg1, %dma_wait3A_18, %dma_wait3A_19] : memref<16x79x128xi32, #tpu.memory_space<hbm>> -> memref<1x79x128xi32, #tpu.memory_space<hbm>>
      %dma_wait3A_21 = tpu.memref_squeeze %dma_wait3A_20 : memref<1x79x128xi32, #tpu.memory_space<hbm>> -> memref<79x128xi32, #tpu.memory_space<hbm>>
      tpu.wait_dma2 semaphore(%run_scoped3A : memref<!tpu.dma_semaphore, #tpu.memory_space<semaphore_mem>>) src(%dma_wait3A_21 : memref<79x128xi32, #tpu.memory_space<hbm>>) dst(%arg12 : memref<79x128xi32, #tpu.memory_space<vmem>>)
      tpu.yield
    }) : () -> ()
    "tpu.region"() ({
      %run_scoped3A = tpu.sem_alloc : memref<!tpu.dma_semaphore, #tpu.memory_space<semaphore_mem>>
      %dma_start3A = arith.constant 0 : i32
      %dma_start3A_8 = arith.constant 0 : i32
      %dma_start3A_9 = tpu.memref_slice %arg7[%arg1, %dma_start3A, %dma_start3A_8] : memref<16x79x128xi32, #tpu.memory_space<hbm>> -> memref<1x79x128xi32, #tpu.memory_space<hbm>>
      %dma_start3A_10 = tpu.memref_squeeze %dma_start3A_9 : memref<1x79x128xi32, #tpu.memory_space<hbm>> -> memref<79x128xi32, #tpu.memory_space<hbm>>
      %dma_start3A_11 = arith.constant 0 : i32
      %dma_start3A_12 = arith.constant 0 : i32
      %dma_start3A_13 = tpu.memref_slice %arg7[%arg1, %dma_start3A_11, %dma_start3A_12] : memref<16x79x128xi32, #tpu.memory_space<hbm>> -> memref<1x79x128xi32, #tpu.memory_space<hbm>>
      %dma_start3A_14 = tpu.memref_squeeze %dma_start3A_13 : memref<1x79x128xi32, #tpu.memory_space<hbm>> -> memref<79x128xi32, #tpu.memory_space<hbm>>
      tpu.enqueue_dma source(%dma_start3A_14 : memref<79x128xi32, #tpu.memory_space<hbm>>) target(%arg13 : memref<79x128xi32, #tpu.memory_space<vmem>>) target_semaphore(%run_scoped3A : memref<!tpu.dma_semaphore, #tpu.memory_space<semaphore_mem>>)
      %dma_wait3A = arith.constant 0 : i32
      %dma_wait3A_15 = arith.constant 0 : i32
      %dma_wait3A_16 = tpu.memref_slice %arg7[%arg1, %dma_wait3A, %dma_wait3A_15] : memref<16x79x128xi32, #tpu.memory_space<hbm>> -> memref<1x79x128xi32, #tpu.memory_space<hbm>>
      %dma_wait3A_17 = tpu.memref_squeeze %dma_wait3A_16 : memref<1x79x128xi32, #tpu.memory_space<hbm>> -> memref<79x128xi32, #tpu.memory_space<hbm>>
      %dma_wait3A_18 = arith.constant 0 : i32
      %dma_wait3A_19 = arith.constant 0 : i32
      %dma_wait3A_20 = tpu.memref_slice %arg7[%arg1, %dma_wait3A_18, %dma_wait3A_19] : memref<16x79x128xi32, #tpu.memory_space<hbm>> -> memref<1x79x128xi32, #tpu.memory_space<hbm>>
      %dma_wait3A_21 = tpu.memref_squeeze %dma_wait3A_20 : memref<1x79x128xi32, #tpu.memory_space<hbm>> -> memref<79x128xi32, #tpu.memory_space<hbm>>
      tpu.wait_dma2 semaphore(%run_scoped3A : memref<!tpu.dma_semaphore, #tpu.memory_space<semaphore_mem>>) src(%dma_wait3A_21 : memref<79x128xi32, #tpu.memory_space<hbm>>) dst(%arg13 : memref<79x128xi32, #tpu.memory_space<vmem>>)
      tpu.yield
    }) : () -> ()
    %mul3A = arith.constant 640 : i32
    %mul3A_0 = arith.muli %arg1, %mul3A : i32
    %eq3A = arith.constant 0 : i32
    %eq3A_1 = arith.cmpi eq, %arg0, %eq3A : i32
    %convert_element_type3A = arith.extui %eq3A_1 : i1 to i32
    %cond3A = arith.constant 0 : i32
    %cond3A_2 = arith.cmpi ne, %convert_element_type3A, %cond3A : i32
    scf.if %cond3A_2 {
      %scan3A = arith.constant 0 : i32
      %scan3A_8 = arith.constant 0 : i32
      %scan3A_9 = arith.constant 5 : i32
      %scan3A_10 = arith.addi %scan3A_8, %scan3A_9 : i32
      %scan3A_11 = arith.constant 1 : i32
      scf.for %scan3A_46 = %scan3A_8 to %scan3A_10 step %scan3A_11  : i32 {
        %mul3A_47 = arith.constant 128 : i32
        %mul3A_48 = arith.muli %scan3A_46, %mul3A_47 : i32
        %add3A = arith.addi %mul3A_0, %mul3A_48 : i32
        "tpu.region"() ({
          %run_scoped3A = tpu.sem_alloc : memref<!tpu.dma_semaphore, #tpu.memory_space<semaphore_mem>>
          %dma_start3A = arith.constant 0 : i32
          %dma_start3A_49 = tpu.memref_slice %arg2[%add3A, %dma_start3A] : memref<10240x128xf32, #tpu.memory_space<hbm>> -> memref<128x128xf32, #tpu.memory_space<hbm>>
          %dma_start3A_50 = arith.constant 0 : i32
          %dma_start3A_51 = tpu.memref_slice %arg2[%add3A, %dma_start3A_50] : memref<10240x128xf32, #tpu.memory_space<hbm>> -> memref<128x128xf32, #tpu.memory_space<hbm>>
          tpu.enqueue_dma source(%dma_start3A_51 : memref<128x128xf32, #tpu.memory_space<hbm>>) target(%arg14 : memref<128x128xf32, #tpu.memory_space<vmem>>) target_semaphore(%run_scoped3A : memref<!tpu.dma_semaphore, #tpu.memory_space<semaphore_mem>>)
          %dma_wait3A = arith.constant 0 : i32
          %dma_wait3A_52 = tpu.memref_slice %arg2[%add3A, %dma_wait3A] : memref<10240x128xf32, #tpu.memory_space<hbm>> -> memref<128x128xf32, #tpu.memory_space<hbm>>
          %dma_wait3A_53 = arith.constant 0 : i32
          %dma_wait3A_54 = tpu.memref_slice %arg2[%add3A, %dma_wait3A_53] : memref<10240x128xf32, #tpu.memory_space<hbm>> -> memref<128x128xf32, #tpu.memory_space<hbm>>
          tpu.wait_dma2 semaphore(%run_scoped3A : memref<!tpu.dma_semaphore, #tpu.memory_space<semaphore_mem>>) src(%dma_wait3A_54 : memref<128x128xf32, #tpu.memory_space<hbm>>) dst(%arg14 : memref<128x128xf32, #tpu.memory_space<vmem>>)
          tpu.yield
        }) : () -> ()
        "tpu.region"() ({
          %run_scoped3A = tpu.sem_alloc : memref<!tpu.dma_semaphore, #tpu.memory_space<semaphore_mem>>
          %dma_start3A = arith.constant 0 : i32
          %dma_start3A_49 = tpu.memref_slice %arg15[%add3A, %dma_start3A] : memref<10240x128xf32, #tpu.memory_space<vmem_shared>> -> memref<128x128xf32, #tpu.memory_space<vmem_shared>>
          %dma_start3A_50 = arith.constant 0 : i32
          %dma_start3A_51 = tpu.memref_slice %arg15[%add3A, %dma_start3A_50] : memref<10240x128xf32, #tpu.memory_space<vmem_shared>> -> memref<128x128xf32, #tpu.memory_space<vmem_shared>>
          tpu.enqueue_dma source(%arg14 : memref<128x128xf32, #tpu.memory_space<vmem>>) target(%dma_start3A_51 : memref<128x128xf32, #tpu.memory_space<vmem_shared>>) target_semaphore(%run_scoped3A : memref<!tpu.dma_semaphore, #tpu.memory_space<semaphore_mem>>)
          %dma_wait3A = arith.constant 0 : i32
          %dma_wait3A_52 = tpu.memref_slice %arg15[%add3A, %dma_wait3A] : memref<10240x128xf32, #tpu.memory_space<vmem_shared>> -> memref<128x128xf32, #tpu.memory_space<vmem_shared>>
          %dma_wait3A_53 = arith.constant 0 : i32
          %dma_wait3A_54 = tpu.memref_slice %arg15[%add3A, %dma_wait3A_53] : memref<10240x128xf32, #tpu.memory_space<vmem_shared>> -> memref<128x128xf32, #tpu.memory_space<vmem_shared>>
          tpu.wait_dma2 semaphore(%run_scoped3A : memref<!tpu.dma_semaphore, #tpu.memory_space<semaphore_mem>>) src(%arg14 : memref<128x128xf32, #tpu.memory_space<vmem>>) dst(%dma_wait3A_54 : memref<128x128xf32, #tpu.memory_space<vmem_shared>>)
          tpu.yield
        }) : () -> ()
      }
      %scan3A_12 = arith.constant 5 : i32
      %barrier3A = arith.constant 0 : index
      tpu.barrier barrier_id(%barrier3A)
      %scan3A_13 = arith.constant 0 : i32
      %scan3A_14 = arith.constant 0 : i32
      %scan3A_15 = arith.constant 79 : i32
      %scan3A_16 = arith.addi %scan3A_14, %scan3A_15 : i32
      %scan3A_17 = arith.constant 1 : i32
      scf.for %scan3A_46 = %scan3A_14 to %scan3A_16 step %scan3A_17  : i32 {
        %dma_start3A = arith.constant 0 : i32
        %dma_start3A_47 = tpu.memref_slice %arg12[%scan3A_46, %dma_start3A] : memref<79x128xi32, #tpu.memory_space<vmem>> -> memref<1x128xi32, #tpu.memory_space<vmem>>
        %dma_start3A_48 = tpu.memref_squeeze %dma_start3A_47 : memref<1x128xi32, #tpu.memory_space<vmem>> -> memref<128xi32, #tpu.memory_space<vmem>>
        %dma_start3A_49 = arith.constant 0 : i32
        %dma_start3A_50 = arith.constant 0 : i32
        %dma_start3A_51 = tpu.memref_slice %arg2[%dma_start3A_49, %dma_start3A_50] : memref<10240x128xf32, #tpu.memory_space<hbm>> -> memref<10240x128xf32, #tpu.memory_space<hbm>>
        tpu.enqueue_indirect_dma source(%dma_start3A_51 : memref<10240x128xf32, #tpu.memory_space<hbm>>) target(%arg14 : memref<128x128xf32, #tpu.memory_space<vmem>>) offsets(%dma_start3A_48 : memref<128xi32, #tpu.memory_space<vmem>>) semaphore(%arg16 : memref<!tpu.dma_semaphore, #tpu.memory_space<semaphore_mem>>)
        %dma_wait3A = arith.constant 0 : i32
        %dma_wait3A_52 = tpu.memref_slice %arg12[%scan3A_46, %dma_wait3A] : memref<79x128xi32, #tpu.memory_space<vmem>> -> memref<1x128xi32, #tpu.memory_space<vmem>>
        %dma_wait3A_53 = tpu.memref_squeeze %dma_wait3A_52 : memref<1x128xi32, #tpu.memory_space<vmem>> -> memref<128xi32, #tpu.memory_space<vmem>>
        %dma_wait3A_54 = arith.constant 0 : i32
        %dma_wait3A_55 = arith.constant 0 : i32
        %dma_wait3A_56 = tpu.memref_slice %arg2[%dma_wait3A_54, %dma_wait3A_55] : memref<10240x128xf32, #tpu.memory_space<hbm>> -> memref<10240x128xf32, #tpu.memory_space<hbm>>
        tpu.wait_indirect_dma semaphore(%arg16 : memref<!tpu.dma_semaphore, #tpu.memory_space<semaphore_mem>>) src(%dma_wait3A_56 : memref<10240x128xf32, #tpu.memory_space<hbm>>) dst(%arg14 : memref<128x128xf32, #tpu.memory_space<vmem>>)
        "tpu.region"() ({
          %run_scoped3A = tpu.sem_alloc : memref<!tpu.dma_semaphore, #tpu.memory_space<semaphore_mem>>
          %dma_start3A_57 = arith.constant 0 : i32
          %dma_start3A_58 = tpu.memref_slice %arg13[%scan3A_46, %dma_start3A_57] : memref<79x128xi32, #tpu.memory_space<vmem>> -> memref<1x128xi32, #tpu.memory_space<vmem>>
          %dma_start3A_59 = tpu.memref_squeeze %dma_start3A_58 : memref<1x128xi32, #tpu.memory_space<vmem>> -> memref<128xi32, #tpu.memory_space<vmem>>
          %dma_start3A_60 = arith.constant 0 : i32
          %dma_start3A_61 = arith.constant 0 : i32
          %dma_start3A_62 = tpu.memref_slice %arg15[%dma_start3A_60, %dma_start3A_61] : memref<10240x128xf32, #tpu.memory_space<vmem_shared>> -> memref<10240x128xf32, #tpu.memory_space<vmem_shared>>
          tpu.enqueue_indirect_dma source(%arg14 : memref<128x128xf32, #tpu.memory_space<vmem>>) target(%dma_start3A_62 : memref<10240x128xf32, #tpu.memory_space<vmem_shared>>) offsets(%dma_start3A_59 : memref<128xi32, #tpu.memory_space<vmem>>) semaphore(%run_scoped3A : memref<!tpu.dma_semaphore, #tpu.memory_space<semaphore_mem>>) {add = true}
          %dma_wait3A_63 = arith.constant 0 : i32
          %dma_wait3A_64 = tpu.memref_slice %arg13[%scan3A_46, %dma_wait3A_63] : memref<79x128xi32, #tpu.memory_space<vmem>> -> memref<1x128xi32, #tpu.memory_space<vmem>>
          %dma_wait3A_65 = tpu.memref_squeeze %dma_wait3A_64 : memref<1x128xi32, #tpu.memory_space<vmem>> -> memref<128xi32, #tpu.memory_space<vmem>>
          %dma_wait3A_66 = arith.constant 0 : i32
          %dma_wait3A_67 = arith.constant 0 : i32
          %dma_wait3A_68 = tpu.memref_slice %arg15[%dma_wait3A_66, %dma_wait3A_67] : memref<10240x128xf32, #tpu.memory_space<vmem_shared>> -> memref<10240x128xf32, #tpu.memory_space<vmem_shared>>
          tpu.wait_indirect_dma semaphore(%run_scoped3A : memref<!tpu.dma_semaphore, #tpu.memory_space<semaphore_mem>>) src(%arg14 : memref<128x128xf32, #tpu.memory_space<vmem>>) dst(%dma_wait3A_68 : memref<10240x128xf32, #tpu.memory_space<vmem_shared>>)
          tpu.yield
        }) : () -> ()
      }
      %scan3A_18 = arith.constant 79 : i32
      %barrier3A_19 = arith.constant 0 : index
      tpu.barrier barrier_id(%barrier3A_19)
      %scan3A_20 = arith.constant 0 : i32
      %scan3A_21 = arith.constant 0 : i32
      %scan3A_22 = arith.constant 5 : i32
      %scan3A_23 = arith.addi %scan3A_21, %scan3A_22 : i32
      %scan3A_24 = arith.constant 1 : i32
      scf.for %scan3A_46 = %scan3A_21 to %scan3A_23 step %scan3A_24  : i32 {
        %mul3A_47 = arith.constant 128 : i32
        %mul3A_48 = arith.muli %scan3A_46, %mul3A_47 : i32
        %add3A = arith.addi %mul3A_0, %mul3A_48 : i32
        "tpu.region"() ({
          %run_scoped3A = tpu.sem_alloc : memref<!tpu.dma_semaphore, #tpu.memory_space<semaphore_mem>>
          %dma_start3A = arith.constant 0 : i32
          %dma_start3A_49 = tpu.memref_slice %arg15[%add3A, %dma_start3A] : memref<10240x128xf32, #tpu.memory_space<vmem_shared>> -> memref<128x128xf32, #tpu.memory_space<vmem_shared>>
          %dma_start3A_50 = arith.constant 0 : i32
          %dma_start3A_51 = tpu.memref_slice %arg15[%add3A, %dma_start3A_50] : memref<10240x128xf32, #tpu.memory_space<vmem_shared>> -> memref<128x128xf32, #tpu.memory_space<vmem_shared>>
          tpu.enqueue_dma source(%dma_start3A_51 : memref<128x128xf32, #tpu.memory_space<vmem_shared>>) target(%arg14 : memref<128x128xf32, #tpu.memory_space<vmem>>) target_semaphore(%run_scoped3A : memref<!tpu.dma_semaphore, #tpu.memory_space<semaphore_mem>>)
          %dma_wait3A = arith.constant 0 : i32
          %dma_wait3A_52 = tpu.memref_slice %arg15[%add3A, %dma_wait3A] : memref<10240x128xf32, #tpu.memory_space<vmem_shared>> -> memref<128x128xf32, #tpu.memory_space<vmem_shared>>
          %dma_wait3A_53 = arith.constant 0 : i32
          %dma_wait3A_54 = tpu.memref_slice %arg15[%add3A, %dma_wait3A_53] : memref<10240x128xf32, #tpu.memory_space<vmem_shared>> -> memref<128x128xf32, #tpu.memory_space<vmem_shared>>
          tpu.wait_dma2 semaphore(%run_scoped3A : memref<!tpu.dma_semaphore, #tpu.memory_space<semaphore_mem>>) src(%dma_wait3A_54 : memref<128x128xf32, #tpu.memory_space<vmem_shared>>) dst(%arg14 : memref<128x128xf32, #tpu.memory_space<vmem>>)
          tpu.yield
        }) : () -> ()
        "tpu.region"() ({
          %run_scoped3A = tpu.sem_alloc : memref<!tpu.dma_semaphore, #tpu.memory_space<semaphore_mem>>
          %dma_start3A = arith.constant 0 : i32
          %dma_start3A_49 = tpu.memref_slice %arg8[%add3A, %dma_start3A] : memref<10240x128xf32, #tpu.memory_space<hbm>> -> memref<128x128xf32, #tpu.memory_space<hbm>>
          %dma_start3A_50 = arith.constant 0 : i32
          %dma_start3A_51 = tpu.memref_slice %arg8[%add3A, %dma_start3A_50] : memref<10240x128xf32, #tpu.memory_space<hbm>> -> memref<128x128xf32, #tpu.memory_space<hbm>>
          tpu.enqueue_dma source(%arg14 : memref<128x128xf32, #tpu.memory_space<vmem>>) target(%dma_start3A_51 : memref<128x128xf32, #tpu.memory_space<hbm>>) target_semaphore(%run_scoped3A : memref<!tpu.dma_semaphore, #tpu.memory_space<semaphore_mem>>)
          %dma_wait3A = arith.constant 0 : i32
          %dma_wait3A_52 = tpu.memref_slice %arg8[%add3A, %dma_wait3A] : memref<10240x128xf32, #tpu.memory_space<hbm>> -> memref<128x128xf32, #tpu.memory_space<hbm>>
          %dma_wait3A_53 = arith.constant 0 : i32
          %dma_wait3A_54 = tpu.memref_slice %arg8[%add3A, %dma_wait3A_53] : memref<10240x128xf32, #tpu.memory_space<hbm>> -> memref<128x128xf32, #tpu.memory_space<hbm>>
          tpu.wait_dma2 semaphore(%run_scoped3A : memref<!tpu.dma_semaphore, #tpu.memory_space<semaphore_mem>>) src(%arg14 : memref<128x128xf32, #tpu.memory_space<vmem>>) dst(%dma_wait3A_54 : memref<128x128xf32, #tpu.memory_space<hbm>>)
          tpu.yield
        }) : () -> ()
      }
      %scan3A_25 = arith.constant 5 : i32
      %scan3A_26 = arith.constant 0 : i32
      %scan3A_27 = arith.constant 0 : i32
      %scan3A_28 = arith.constant 5 : i32
      %scan3A_29 = arith.addi %scan3A_27, %scan3A_28 : i32
      %scan3A_30 = arith.constant 1 : i32
      scf.for %scan3A_46 = %scan3A_27 to %scan3A_29 step %scan3A_30  : i32 {
        %mul3A_47 = arith.constant 128 : i32
        %mul3A_48 = arith.muli %scan3A_46, %mul3A_47 : i32
        %add3A = arith.addi %mul3A_0, %mul3A_48 : i32
        "tpu.region"() ({
          %run_scoped3A = tpu.sem_alloc : memref<!tpu.dma_semaphore, #tpu.memory_space<semaphore_mem>>
          %dma_start3A = arith.constant 0 : i32
          %dma_start3A_49 = tpu.memref_slice %arg3[%add3A, %dma_start3A] : memref<10240x128xf32, #tpu.memory_space<hbm>> -> memref<128x128xf32, #tpu.memory_space<hbm>>
          %dma_start3A_50 = arith.constant 0 : i32
          %dma_start3A_51 = tpu.memref_slice %arg3[%add3A, %dma_start3A_50] : memref<10240x128xf32, #tpu.memory_space<hbm>> -> memref<128x128xf32, #tpu.memory_space<hbm>>
          tpu.enqueue_dma source(%dma_start3A_51 : memref<128x128xf32, #tpu.memory_space<hbm>>) target(%arg14 : memref<128x128xf32, #tpu.memory_space<vmem>>) target_semaphore(%run_scoped3A : memref<!tpu.dma_semaphore, #tpu.memory_space<semaphore_mem>>)
          %dma_wait3A = arith.constant 0 : i32
          %dma_wait3A_52 = tpu.memref_slice %arg3[%add3A, %dma_wait3A] : memref<10240x128xf32, #tpu.memory_space<hbm>> -> memref<128x128xf32, #tpu.memory_space<hbm>>
          %dma_wait3A_53 = arith.constant 0 : i32
          %dma_wait3A_54 = tpu.memref_slice %arg3[%add3A, %dma_wait3A_53] : memref<10240x128xf32, #tpu.memory_space<hbm>> -> memref<128x128xf32, #tpu.memory_space<hbm>>
          tpu.wait_dma2 semaphore(%run_scoped3A : memref<!tpu.dma_semaphore, #tpu.memory_space<semaphore_mem>>) src(%dma_wait3A_54 : memref<128x128xf32, #tpu.memory_space<hbm>>) dst(%arg14 : memref<128x128xf32, #tpu.memory_space<vmem>>)
          tpu.yield
        }) : () -> ()
        "tpu.region"() ({
          %run_scoped3A = tpu.sem_alloc : memref<!tpu.dma_semaphore, #tpu.memory_space<semaphore_mem>>
          %dma_start3A = arith.constant 0 : i32
          %dma_start3A_49 = tpu.memref_slice %arg15[%add3A, %dma_start3A] : memref<10240x128xf32, #tpu.memory_space<vmem_shared>> -> memref<128x128xf32, #tpu.memory_space<vmem_shared>>
          %dma_start3A_50 = arith.constant 0 : i32
          %dma_start3A_51 = tpu.memref_slice %arg15[%add3A, %dma_start3A_50] : memref<10240x128xf32, #tpu.memory_space<vmem_shared>> -> memref<128x128xf32, #tpu.memory_space<vmem_shared>>
          tpu.enqueue_dma source(%arg14 : memref<128x128xf32, #tpu.memory_space<vmem>>) target(%dma_start3A_51 : memref<128x128xf32, #tpu.memory_space<vmem_shared>>) target_semaphore(%run_scoped3A : memref<!tpu.dma_semaphore, #tpu.memory_space<semaphore_mem>>)
          %dma_wait3A = arith.constant 0 : i32
          %dma_wait3A_52 = tpu.memref_slice %arg15[%add3A, %dma_wait3A] : memref<10240x128xf32, #tpu.memory_space<vmem_shared>> -> memref<128x128xf32, #tpu.memory_space<vmem_shared>>
          %dma_wait3A_53 = arith.constant 0 : i32
          %dma_wait3A_54 = tpu.memref_slice %arg15[%add3A, %dma_wait3A_53] : memref<10240x128xf32, #tpu.memory_space<vmem_shared>> -> memref<128x128xf32, #tpu.memory_space<vmem_shared>>
          tpu.wait_dma2 semaphore(%run_scoped3A : memref<!tpu.dma_semaphore, #tpu.memory_space<semaphore_mem>>) src(%arg14 : memref<128x128xf32, #tpu.memory_space<vmem>>) dst(%dma_wait3A_54 : memref<128x128xf32, #tpu.memory_space<vmem_shared>>)
          tpu.yield
        }) : () -> ()
      }
      %scan3A_31 = arith.constant 5 : i32
      %barrier3A_32 = arith.constant 0 : index
      tpu.barrier barrier_id(%barrier3A_32)
      %scan3A_33 = arith.constant 0 : i32
      %scan3A_34 = arith.constant 0 : i32
      %scan3A_35 = arith.constant 79 : i32
      %scan3A_36 = arith.addi %scan3A_34, %scan3A_35 : i32
      %scan3A_37 = arith.constant 1 : i32
      scf.for %scan3A_46 = %scan3A_34 to %scan3A_36 step %scan3A_37  : i32 {
        %dma_start3A = arith.constant 0 : i32
        %dma_start3A_47 = tpu.memref_slice %arg12[%scan3A_46, %dma_start3A] : memref<79x128xi32, #tpu.memory_space<vmem>> -> memref<1x128xi32, #tpu.memory_space<vmem>>
        %dma_start3A_48 = tpu.memref_squeeze %dma_start3A_47 : memref<1x128xi32, #tpu.memory_space<vmem>> -> memref<128xi32, #tpu.memory_space<vmem>>
        %dma_start3A_49 = arith.constant 0 : i32
        %dma_start3A_50 = arith.constant 0 : i32
        %dma_start3A_51 = tpu.memref_slice %arg3[%dma_start3A_49, %dma_start3A_50] : memref<10240x128xf32, #tpu.memory_space<hbm>> -> memref<10240x128xf32, #tpu.memory_space<hbm>>
        tpu.enqueue_indirect_dma source(%dma_start3A_51 : memref<10240x128xf32, #tpu.memory_space<hbm>>) target(%arg14 : memref<128x128xf32, #tpu.memory_space<vmem>>) offsets(%dma_start3A_48 : memref<128xi32, #tpu.memory_space<vmem>>) semaphore(%arg16 : memref<!tpu.dma_semaphore, #tpu.memory_space<semaphore_mem>>)
        %dma_wait3A = arith.constant 0 : i32
        %dma_wait3A_52 = tpu.memref_slice %arg12[%scan3A_46, %dma_wait3A] : memref<79x128xi32, #tpu.memory_space<vmem>> -> memref<1x128xi32, #tpu.memory_space<vmem>>
        %dma_wait3A_53 = tpu.memref_squeeze %dma_wait3A_52 : memref<1x128xi32, #tpu.memory_space<vmem>> -> memref<128xi32, #tpu.memory_space<vmem>>
        %dma_wait3A_54 = arith.constant 0 : i32
        %dma_wait3A_55 = arith.constant 0 : i32
        %dma_wait3A_56 = tpu.memref_slice %arg3[%dma_wait3A_54, %dma_wait3A_55] : memref<10240x128xf32, #tpu.memory_space<hbm>> -> memref<10240x128xf32, #tpu.memory_space<hbm>>
        tpu.wait_indirect_dma semaphore(%arg16 : memref<!tpu.dma_semaphore, #tpu.memory_space<semaphore_mem>>) src(%dma_wait3A_56 : memref<10240x128xf32, #tpu.memory_space<hbm>>) dst(%arg14 : memref<128x128xf32, #tpu.memory_space<vmem>>)
        "tpu.region"() ({
          %run_scoped3A = tpu.sem_alloc : memref<!tpu.dma_semaphore, #tpu.memory_space<semaphore_mem>>
          %dma_start3A_57 = arith.constant 0 : i32
          %dma_start3A_58 = tpu.memref_slice %arg13[%scan3A_46, %dma_start3A_57] : memref<79x128xi32, #tpu.memory_space<vmem>> -> memref<1x128xi32, #tpu.memory_space<vmem>>
          %dma_start3A_59 = tpu.memref_squeeze %dma_start3A_58 : memref<1x128xi32, #tpu.memory_space<vmem>> -> memref<128xi32, #tpu.memory_space<vmem>>
          %dma_start3A_60 = arith.constant 0 : i32
          %dma_start3A_61 = arith.constant 0 : i32
          %dma_start3A_62 = tpu.memref_slice %arg15[%dma_start3A_60, %dma_start3A_61] : memref<10240x128xf32, #tpu.memory_space<vmem_shared>> -> memref<10240x128xf32, #tpu.memory_space<vmem_shared>>
          tpu.enqueue_indirect_dma source(%arg14 : memref<128x128xf32, #tpu.memory_space<vmem>>) target(%dma_start3A_62 : memref<10240x128xf32, #tpu.memory_space<vmem_shared>>) offsets(%dma_start3A_59 : memref<128xi32, #tpu.memory_space<vmem>>) semaphore(%run_scoped3A : memref<!tpu.dma_semaphore, #tpu.memory_space<semaphore_mem>>) {add = true}
          %dma_wait3A_63 = arith.constant 0 : i32
          %dma_wait3A_64 = tpu.memref_slice %arg13[%scan3A_46, %dma_wait3A_63] : memref<79x128xi32, #tpu.memory_space<vmem>> -> memref<1x128xi32, #tpu.memory_space<vmem>>
          %dma_wait3A_65 = tpu.memref_squeeze %dma_wait3A_64 : memref<1x128xi32, #tpu.memory_space<vmem>> -> memref<128xi32, #tpu.memory_space<vmem>>
          %dma_wait3A_66 = arith.constant 0 : i32
          %dma_wait3A_67 = arith.constant 0 : i32
          %dma_wait3A_68 = tpu.memref_slice %arg15[%dma_wait3A_66, %dma_wait3A_67] : memref<10240x128xf32, #tpu.memory_space<vmem_shared>> -> memref<10240x128xf32, #tpu.memory_space<vmem_shared>>
          tpu.wait_indirect_dma semaphore(%run_scoped3A : memref<!tpu.dma_semaphore, #tpu.memory_space<semaphore_mem>>) src(%arg14 : memref<128x128xf32, #tpu.memory_space<vmem>>) dst(%dma_wait3A_68 : memref<10240x128xf32, #tpu.memory_space<vmem_shared>>)
          tpu.yield
        }) : () -> ()
      }
      %scan3A_38 = arith.constant 79 : i32
      %barrier3A_39 = arith.constant 0 : index
      tpu.barrier barrier_id(%barrier3A_39)
      %scan3A_40 = arith.constant 0 : i32
      %scan3A_41 = arith.constant 0 : i32
      %scan3A_42 = arith.constant 5 : i32
      %scan3A_43 = arith.addi %scan3A_41, %scan3A_42 : i32
      %scan3A_44 = arith.constant 1 : i32
      scf.for %scan3A_46 = %scan3A_41 to %scan3A_43 step %scan3A_44  : i32 {
        %mul3A_47 = arith.constant 128 : i32
        %mul3A_48 = arith.muli %scan3A_46, %mul3A_47 : i32
        %add3A = arith.addi %mul3A_0, %mul3A_48 : i32
        "tpu.region"() ({
          %run_scoped3A = tpu.sem_alloc : memref<!tpu.dma_semaphore, #tpu.memory_space<semaphore_mem>>
          %dma_start3A = arith.constant 0 : i32
          %dma_start3A_49 = tpu.memref_slice %arg15[%add3A, %dma_start3A] : memref<10240x128xf32, #tpu.memory_space<vmem_shared>> -> memref<128x128xf32, #tpu.memory_space<vmem_shared>>
          %dma_start3A_50 = arith.constant 0 : i32
          %dma_start3A_51 = tpu.memref_slice %arg15[%add3A, %dma_start3A_50] : memref<10240x128xf32, #tpu.memory_space<vmem_shared>> -> memref<128x128xf32, #tpu.memory_space<vmem_shared>>
          tpu.enqueue_dma source(%dma_start3A_51 : memref<128x128xf32, #tpu.memory_space<vmem_shared>>) target(%arg14 : memref<128x128xf32, #tpu.memory_space<vmem>>) target_semaphore(%run_scoped3A : memref<!tpu.dma_semaphore, #tpu.memory_space<semaphore_mem>>)
          %dma_wait3A = arith.constant 0 : i32
          %dma_wait3A_52 = tpu.memref_slice %arg15[%add3A, %dma_wait3A] : memref<10240x128xf32, #tpu.memory_space<vmem_shared>> -> memref<128x128xf32, #tpu.memory_space<vmem_shared>>
          %dma_wait3A_53 = arith.constant 0 : i32
          %dma_wait3A_54 = tpu.memref_slice %arg15[%add3A, %dma_wait3A_53] : memref<10240x128xf32, #tpu.memory_space<vmem_shared>> -> memref<128x128xf32, #tpu.memory_space<vmem_shared>>
          tpu.wait_dma2 semaphore(%run_scoped3A : memref<!tpu.dma_semaphore, #tpu.memory_space<semaphore_mem>>) src(%dma_wait3A_54 : memref<128x128xf32, #tpu.memory_space<vmem_shared>>) dst(%arg14 : memref<128x128xf32, #tpu.memory_space<vmem>>)
          tpu.yield
        }) : () -> ()
        "tpu.region"() ({
          %run_scoped3A = tpu.sem_alloc : memref<!tpu.dma_semaphore, #tpu.memory_space<semaphore_mem>>
          %dma_start3A = arith.constant 0 : i32
          %dma_start3A_49 = tpu.memref_slice %arg9[%add3A, %dma_start3A] : memref<10240x128xf32, #tpu.memory_space<hbm>> -> memref<128x128xf32, #tpu.memory_space<hbm>>
          %dma_start3A_50 = arith.constant 0 : i32
          %dma_start3A_51 = tpu.memref_slice %arg9[%add3A, %dma_start3A_50] : memref<10240x128xf32, #tpu.memory_space<hbm>> -> memref<128x128xf32, #tpu.memory_space<hbm>>
          tpu.enqueue_dma source(%arg14 : memref<128x128xf32, #tpu.memory_space<vmem>>) target(%dma_start3A_51 : memref<128x128xf32, #tpu.memory_space<hbm>>) target_semaphore(%run_scoped3A : memref<!tpu.dma_semaphore, #tpu.memory_space<semaphore_mem>>)
          %dma_wait3A = arith.constant 0 : i32
          %dma_wait3A_52 = tpu.memref_slice %arg9[%add3A, %dma_wait3A] : memref<10240x128xf32, #tpu.memory_space<hbm>> -> memref<128x128xf32, #tpu.memory_space<hbm>>
          %dma_wait3A_53 = arith.constant 0 : i32
          %dma_wait3A_54 = tpu.memref_slice %arg9[%add3A, %dma_wait3A_53] : memref<10240x128xf32, #tpu.memory_space<hbm>> -> memref<128x128xf32, #tpu.memory_space<hbm>>
          tpu.wait_dma2 semaphore(%run_scoped3A : memref<!tpu.dma_semaphore, #tpu.memory_space<semaphore_mem>>) src(%arg14 : memref<128x128xf32, #tpu.memory_space<vmem>>) dst(%dma_wait3A_54 : memref<128x128xf32, #tpu.memory_space<hbm>>)
          tpu.yield
        }) : () -> ()
      }
      %scan3A_45 = arith.constant 5 : i32
    } else {
    }
    %eq3A_3 = arith.constant 1 : i32
    %eq3A_4 = arith.cmpi eq, %arg0, %eq3A_3 : i32
    %convert_element_type3A_5 = arith.extui %eq3A_4 : i1 to i32
    %cond3A_6 = arith.constant 0 : i32
    %cond3A_7 = arith.cmpi ne, %convert_element_type3A_5, %cond3A_6 : i32
    scf.if %cond3A_7 {
      %scan3A = arith.constant 0 : i32
      %scan3A_8 = arith.constant 0 : i32
      %scan3A_9 = arith.constant 5 : i32
      %scan3A_10 = arith.addi %scan3A_8, %scan3A_9 : i32
      %scan3A_11 = arith.constant 1 : i32
      scf.for %scan3A_46 = %scan3A_8 to %scan3A_10 step %scan3A_11  : i32 {
        %mul3A_47 = arith.constant 128 : i32
        %mul3A_48 = arith.muli %scan3A_46, %mul3A_47 : i32
        %add3A = arith.addi %mul3A_0, %mul3A_48 : i32
        "tpu.region"() ({
          %run_scoped3A = tpu.sem_alloc : memref<!tpu.dma_semaphore, #tpu.memory_space<semaphore_mem>>
          %dma_start3A = arith.constant 0 : i32
          %dma_start3A_49 = tpu.memref_slice %arg4[%add3A, %dma_start3A] : memref<10240x128xf32, #tpu.memory_space<hbm>> -> memref<128x128xf32, #tpu.memory_space<hbm>>
          %dma_start3A_50 = arith.constant 0 : i32
          %dma_start3A_51 = tpu.memref_slice %arg4[%add3A, %dma_start3A_50] : memref<10240x128xf32, #tpu.memory_space<hbm>> -> memref<128x128xf32, #tpu.memory_space<hbm>>
          tpu.enqueue_dma source(%dma_start3A_51 : memref<128x128xf32, #tpu.memory_space<hbm>>) target(%arg14 : memref<128x128xf32, #tpu.memory_space<vmem>>) target_semaphore(%run_scoped3A : memref<!tpu.dma_semaphore, #tpu.memory_space<semaphore_mem>>)
          %dma_wait3A = arith.constant 0 : i32
          %dma_wait3A_52 = tpu.memref_slice %arg4[%add3A, %dma_wait3A] : memref<10240x128xf32, #tpu.memory_space<hbm>> -> memref<128x128xf32, #tpu.memory_space<hbm>>
          %dma_wait3A_53 = arith.constant 0 : i32
          %dma_wait3A_54 = tpu.memref_slice %arg4[%add3A, %dma_wait3A_53] : memref<10240x128xf32, #tpu.memory_space<hbm>> -> memref<128x128xf32, #tpu.memory_space<hbm>>
          tpu.wait_dma2 semaphore(%run_scoped3A : memref<!tpu.dma_semaphore, #tpu.memory_space<semaphore_mem>>) src(%dma_wait3A_54 : memref<128x128xf32, #tpu.memory_space<hbm>>) dst(%arg14 : memref<128x128xf32, #tpu.memory_space<vmem>>)
          tpu.yield
        }) : () -> ()
        "tpu.region"() ({
          %run_scoped3A = tpu.sem_alloc : memref<!tpu.dma_semaphore, #tpu.memory_space<semaphore_mem>>
          %dma_start3A = arith.constant 0 : i32
          %dma_start3A_49 = tpu.memref_slice %arg15[%add3A, %dma_start3A] : memref<10240x128xf32, #tpu.memory_space<vmem_shared>> -> memref<128x128xf32, #tpu.memory_space<vmem_shared>>
          %dma_start3A_50 = arith.constant 0 : i32
          %dma_start3A_51 = tpu.memref_slice %arg15[%add3A, %dma_start3A_50] : memref<10240x128xf32, #tpu.memory_space<vmem_shared>> -> memref<128x128xf32, #tpu.memory_space<vmem_shared>>
          tpu.enqueue_dma source(%arg14 : memref<128x128xf32, #tpu.memory_space<vmem>>) target(%dma_start3A_51 : memref<128x128xf32, #tpu.memory_space<vmem_shared>>) target_semaphore(%run_scoped3A : memref<!tpu.dma_semaphore, #tpu.memory_space<semaphore_mem>>)
          %dma_wait3A = arith.constant 0 : i32
          %dma_wait3A_52 = tpu.memref_slice %arg15[%add3A, %dma_wait3A] : memref<10240x128xf32, #tpu.memory_space<vmem_shared>> -> memref<128x128xf32, #tpu.memory_space<vmem_shared>>
          %dma_wait3A_53 = arith.constant 0 : i32
          %dma_wait3A_54 = tpu.memref_slice %arg15[%add3A, %dma_wait3A_53] : memref<10240x128xf32, #tpu.memory_space<vmem_shared>> -> memref<128x128xf32, #tpu.memory_space<vmem_shared>>
          tpu.wait_dma2 semaphore(%run_scoped3A : memref<!tpu.dma_semaphore, #tpu.memory_space<semaphore_mem>>) src(%arg14 : memref<128x128xf32, #tpu.memory_space<vmem>>) dst(%dma_wait3A_54 : memref<128x128xf32, #tpu.memory_space<vmem_shared>>)
          tpu.yield
        }) : () -> ()
      }
      %scan3A_12 = arith.constant 5 : i32
      %barrier3A = arith.constant 0 : index
      tpu.barrier barrier_id(%barrier3A)
      %scan3A_13 = arith.constant 0 : i32
      %scan3A_14 = arith.constant 0 : i32
      %scan3A_15 = arith.constant 79 : i32
      %scan3A_16 = arith.addi %scan3A_14, %scan3A_15 : i32
      %scan3A_17 = arith.constant 1 : i32
      scf.for %scan3A_46 = %scan3A_14 to %scan3A_16 step %scan3A_17  : i32 {
        %dma_start3A = arith.constant 0 : i32
        %dma_start3A_47 = tpu.memref_slice %arg12[%scan3A_46, %dma_start3A] : memref<79x128xi32, #tpu.memory_space<vmem>> -> memref<1x128xi32, #tpu.memory_space<vmem>>
        %dma_start3A_48 = tpu.memref_squeeze %dma_start3A_47 : memref<1x128xi32, #tpu.memory_space<vmem>> -> memref<128xi32, #tpu.memory_space<vmem>>
        %dma_start3A_49 = arith.constant 0 : i32
        %dma_start3A_50 = arith.constant 0 : i32
        %dma_start3A_51 = tpu.memref_slice %arg4[%dma_start3A_49, %dma_start3A_50] : memref<10240x128xf32, #tpu.memory_space<hbm>> -> memref<10240x128xf32, #tpu.memory_space<hbm>>
        tpu.enqueue_indirect_dma source(%dma_start3A_51 : memref<10240x128xf32, #tpu.memory_space<hbm>>) target(%arg14 : memref<128x128xf32, #tpu.memory_space<vmem>>) offsets(%dma_start3A_48 : memref<128xi32, #tpu.memory_space<vmem>>) semaphore(%arg16 : memref<!tpu.dma_semaphore, #tpu.memory_space<semaphore_mem>>)
        %dma_wait3A = arith.constant 0 : i32
        %dma_wait3A_52 = tpu.memref_slice %arg12[%scan3A_46, %dma_wait3A] : memref<79x128xi32, #tpu.memory_space<vmem>> -> memref<1x128xi32, #tpu.memory_space<vmem>>
        %dma_wait3A_53 = tpu.memref_squeeze %dma_wait3A_52 : memref<1x128xi32, #tpu.memory_space<vmem>> -> memref<128xi32, #tpu.memory_space<vmem>>
        %dma_wait3A_54 = arith.constant 0 : i32
        %dma_wait3A_55 = arith.constant 0 : i32
        %dma_wait3A_56 = tpu.memref_slice %arg4[%dma_wait3A_54, %dma_wait3A_55] : memref<10240x128xf32, #tpu.memory_space<hbm>> -> memref<10240x128xf32, #tpu.memory_space<hbm>>
        tpu.wait_indirect_dma semaphore(%arg16 : memref<!tpu.dma_semaphore, #tpu.memory_space<semaphore_mem>>) src(%dma_wait3A_56 : memref<10240x128xf32, #tpu.memory_space<hbm>>) dst(%arg14 : memref<128x128xf32, #tpu.memory_space<vmem>>)
        "tpu.region"() ({
          %run_scoped3A = tpu.sem_alloc : memref<!tpu.dma_semaphore, #tpu.memory_space<semaphore_mem>>
          %dma_start3A_57 = arith.constant 0 : i32
          %dma_start3A_58 = tpu.memref_slice %arg13[%scan3A_46, %dma_start3A_57] : memref<79x128xi32, #tpu.memory_space<vmem>> -> memref<1x128xi32, #tpu.memory_space<vmem>>
          %dma_start3A_59 = tpu.memref_squeeze %dma_start3A_58 : memref<1x128xi32, #tpu.memory_space<vmem>> -> memref<128xi32, #tpu.memory_space<vmem>>
          %dma_start3A_60 = arith.constant 0 : i32
          %dma_start3A_61 = arith.constant 0 : i32
          %dma_start3A_62 = tpu.memref_slice %arg15[%dma_start3A_60, %dma_start3A_61] : memref<10240x128xf32, #tpu.memory_space<vmem_shared>> -> memref<10240x128xf32, #tpu.memory_space<vmem_shared>>
          tpu.enqueue_indirect_dma source(%arg14 : memref<128x128xf32, #tpu.memory_space<vmem>>) target(%dma_start3A_62 : memref<10240x128xf32, #tpu.memory_space<vmem_shared>>) offsets(%dma_start3A_59 : memref<128xi32, #tpu.memory_space<vmem>>) semaphore(%run_scoped3A : memref<!tpu.dma_semaphore, #tpu.memory_space<semaphore_mem>>) {add = true}
          %dma_wait3A_63 = arith.constant 0 : i32
          %dma_wait3A_64 = tpu.memref_slice %arg13[%scan3A_46, %dma_wait3A_63] : memref<79x128xi32, #tpu.memory_space<vmem>> -> memref<1x128xi32, #tpu.memory_space<vmem>>
          %dma_wait3A_65 = tpu.memref_squeeze %dma_wait3A_64 : memref<1x128xi32, #tpu.memory_space<vmem>> -> memref<128xi32, #tpu.memory_space<vmem>>
          %dma_wait3A_66 = arith.constant 0 : i32
          %dma_wait3A_67 = arith.constant 0 : i32
          %dma_wait3A_68 = tpu.memref_slice %arg15[%dma_wait3A_66, %dma_wait3A_67] : memref<10240x128xf32, #tpu.memory_space<vmem_shared>> -> memref<10240x128xf32, #tpu.memory_space<vmem_shared>>
          tpu.wait_indirect_dma semaphore(%run_scoped3A : memref<!tpu.dma_semaphore, #tpu.memory_space<semaphore_mem>>) src(%arg14 : memref<128x128xf32, #tpu.memory_space<vmem>>) dst(%dma_wait3A_68 : memref<10240x128xf32, #tpu.memory_space<vmem_shared>>)
          tpu.yield
        }) : () -> ()
      }
      %scan3A_18 = arith.constant 79 : i32
      %barrier3A_19 = arith.constant 0 : index
      tpu.barrier barrier_id(%barrier3A_19)
      %scan3A_20 = arith.constant 0 : i32
      %scan3A_21 = arith.constant 0 : i32
      %scan3A_22 = arith.constant 5 : i32
      %scan3A_23 = arith.addi %scan3A_21, %scan3A_22 : i32
      %scan3A_24 = arith.constant 1 : i32
      scf.for %scan3A_46 = %scan3A_21 to %scan3A_23 step %scan3A_24  : i32 {
        %mul3A_47 = arith.constant 128 : i32
        %mul3A_48 = arith.muli %scan3A_46, %mul3A_47 : i32
        %add3A = arith.addi %mul3A_0, %mul3A_48 : i32
        "tpu.region"() ({
          %run_scoped3A = tpu.sem_alloc : memref<!tpu.dma_semaphore, #tpu.memory_space<semaphore_mem>>
          %dma_start3A = arith.constant 0 : i32
          %dma_start3A_49 = tpu.memref_slice %arg15[%add3A, %dma_start3A] : memref<10240x128xf32, #tpu.memory_space<vmem_shared>> -> memref<128x128xf32, #tpu.memory_space<vmem_shared>>
          %dma_start3A_50 = arith.constant 0 : i32
          %dma_start3A_51 = tpu.memref_slice %arg15[%add3A, %dma_start3A_50] : memref<10240x128xf32, #tpu.memory_space<vmem_shared>> -> memref<128x128xf32, #tpu.memory_space<vmem_shared>>
          tpu.enqueue_dma source(%dma_start3A_51 : memref<128x128xf32, #tpu.memory_space<vmem_shared>>) target(%arg14 : memref<128x128xf32, #tpu.memory_space<vmem>>) target_semaphore(%run_scoped3A : memref<!tpu.dma_semaphore, #tpu.memory_space<semaphore_mem>>)
          %dma_wait3A = arith.constant 0 : i32
          %dma_wait3A_52 = tpu.memref_slice %arg15[%add3A, %dma_wait3A] : memref<10240x128xf32, #tpu.memory_space<vmem_shared>> -> memref<128x128xf32, #tpu.memory_space<vmem_shared>>
          %dma_wait3A_53 = arith.constant 0 : i32
          %dma_wait3A_54 = tpu.memref_slice %arg15[%add3A, %dma_wait3A_53] : memref<10240x128xf32, #tpu.memory_space<vmem_shared>> -> memref<128x128xf32, #tpu.memory_space<vmem_shared>>
          tpu.wait_dma2 semaphore(%run_scoped3A : memref<!tpu.dma_semaphore, #tpu.memory_space<semaphore_mem>>) src(%dma_wait3A_54 : memref<128x128xf32, #tpu.memory_space<vmem_shared>>) dst(%arg14 : memref<128x128xf32, #tpu.memory_space<vmem>>)
          tpu.yield
        }) : () -> ()
        "tpu.region"() ({
          %run_scoped3A = tpu.sem_alloc : memref<!tpu.dma_semaphore, #tpu.memory_space<semaphore_mem>>
          %dma_start3A = arith.constant 0 : i32
          %dma_start3A_49 = tpu.memref_slice %arg10[%add3A, %dma_start3A] : memref<10240x128xf32, #tpu.memory_space<hbm>> -> memref<128x128xf32, #tpu.memory_space<hbm>>
          %dma_start3A_50 = arith.constant 0 : i32
          %dma_start3A_51 = tpu.memref_slice %arg10[%add3A, %dma_start3A_50] : memref<10240x128xf32, #tpu.memory_space<hbm>> -> memref<128x128xf32, #tpu.memory_space<hbm>>
          tpu.enqueue_dma source(%arg14 : memref<128x128xf32, #tpu.memory_space<vmem>>) target(%dma_start3A_51 : memref<128x128xf32, #tpu.memory_space<hbm>>) target_semaphore(%run_scoped3A : memref<!tpu.dma_semaphore, #tpu.memory_space<semaphore_mem>>)
          %dma_wait3A = arith.constant 0 : i32
          %dma_wait3A_52 = tpu.memref_slice %arg10[%add3A, %dma_wait3A] : memref<10240x128xf32, #tpu.memory_space<hbm>> -> memref<128x128xf32, #tpu.memory_space<hbm>>
          %dma_wait3A_53 = arith.constant 0 : i32
          %dma_wait3A_54 = tpu.memref_slice %arg10[%add3A, %dma_wait3A_53] : memref<10240x128xf32, #tpu.memory_space<hbm>> -> memref<128x128xf32, #tpu.memory_space<hbm>>
          tpu.wait_dma2 semaphore(%run_scoped3A : memref<!tpu.dma_semaphore, #tpu.memory_space<semaphore_mem>>) src(%arg14 : memref<128x128xf32, #tpu.memory_space<vmem>>) dst(%dma_wait3A_54 : memref<128x128xf32, #tpu.memory_space<hbm>>)
          tpu.yield
        }) : () -> ()
      }
      %scan3A_25 = arith.constant 5 : i32
      %scan3A_26 = arith.constant 0 : i32
      %scan3A_27 = arith.constant 0 : i32
      %scan3A_28 = arith.constant 5 : i32
      %scan3A_29 = arith.addi %scan3A_27, %scan3A_28 : i32
      %scan3A_30 = arith.constant 1 : i32
      scf.for %scan3A_46 = %scan3A_27 to %scan3A_29 step %scan3A_30  : i32 {
        %mul3A_47 = arith.constant 128 : i32
        %mul3A_48 = arith.muli %scan3A_46, %mul3A_47 : i32
        %add3A = arith.addi %mul3A_0, %mul3A_48 : i32
        "tpu.region"() ({
          %run_scoped3A = tpu.sem_alloc : memref<!tpu.dma_semaphore, #tpu.memory_space<semaphore_mem>>
          %dma_start3A = arith.constant 0 : i32
          %dma_start3A_49 = tpu.memref_slice %arg5[%add3A, %dma_start3A] : memref<10240x128xf32, #tpu.memory_space<hbm>> -> memref<128x128xf32, #tpu.memory_space<hbm>>
          %dma_start3A_50 = arith.constant 0 : i32
          %dma_start3A_51 = tpu.memref_slice %arg5[%add3A, %dma_start3A_50] : memref<10240x128xf32, #tpu.memory_space<hbm>> -> memref<128x128xf32, #tpu.memory_space<hbm>>
          tpu.enqueue_dma source(%dma_start3A_51 : memref<128x128xf32, #tpu.memory_space<hbm>>) target(%arg14 : memref<128x128xf32, #tpu.memory_space<vmem>>) target_semaphore(%run_scoped3A : memref<!tpu.dma_semaphore, #tpu.memory_space<semaphore_mem>>)
          %dma_wait3A = arith.constant 0 : i32
          %dma_wait3A_52 = tpu.memref_slice %arg5[%add3A, %dma_wait3A] : memref<10240x128xf32, #tpu.memory_space<hbm>> -> memref<128x128xf32, #tpu.memory_space<hbm>>
          %dma_wait3A_53 = arith.constant 0 : i32
          %dma_wait3A_54 = tpu.memref_slice %arg5[%add3A, %dma_wait3A_53] : memref<10240x128xf32, #tpu.memory_space<hbm>> -> memref<128x128xf32, #tpu.memory_space<hbm>>
          tpu.wait_dma2 semaphore(%run_scoped3A : memref<!tpu.dma_semaphore, #tpu.memory_space<semaphore_mem>>) src(%dma_wait3A_54 : memref<128x128xf32, #tpu.memory_space<hbm>>) dst(%arg14 : memref<128x128xf32, #tpu.memory_space<vmem>>)
          tpu.yield
        }) : () -> ()
        "tpu.region"() ({
          %run_scoped3A = tpu.sem_alloc : memref<!tpu.dma_semaphore, #tpu.memory_space<semaphore_mem>>
          %dma_start3A = arith.constant 0 : i32
          %dma_start3A_49 = tpu.memref_slice %arg15[%add3A, %dma_start3A] : memref<10240x128xf32, #tpu.memory_space<vmem_shared>> -> memref<128x128xf32, #tpu.memory_space<vmem_shared>>
          %dma_start3A_50 = arith.constant 0 : i32
          %dma_start3A_51 = tpu.memref_slice %arg15[%add3A, %dma_start3A_50] : memref<10240x128xf32, #tpu.memory_space<vmem_shared>> -> memref<128x128xf32, #tpu.memory_space<vmem_shared>>
          tpu.enqueue_dma source(%arg14 : memref<128x128xf32, #tpu.memory_space<vmem>>) target(%dma_start3A_51 : memref<128x128xf32, #tpu.memory_space<vmem_shared>>) target_semaphore(%run_scoped3A : memref<!tpu.dma_semaphore, #tpu.memory_space<semaphore_mem>>)
          %dma_wait3A = arith.constant 0 : i32
          %dma_wait3A_52 = tpu.memref_slice %arg15[%add3A, %dma_wait3A] : memref<10240x128xf32, #tpu.memory_space<vmem_shared>> -> memref<128x128xf32, #tpu.memory_space<vmem_shared>>
          %dma_wait3A_53 = arith.constant 0 : i32
          %dma_wait3A_54 = tpu.memref_slice %arg15[%add3A, %dma_wait3A_53] : memref<10240x128xf32, #tpu.memory_space<vmem_shared>> -> memref<128x128xf32, #tpu.memory_space<vmem_shared>>
          tpu.wait_dma2 semaphore(%run_scoped3A : memref<!tpu.dma_semaphore, #tpu.memory_space<semaphore_mem>>) src(%arg14 : memref<128x128xf32, #tpu.memory_space<vmem>>) dst(%dma_wait3A_54 : memref<128x128xf32, #tpu.memory_space<vmem_shared>>)
          tpu.yield
        }) : () -> ()
      }
      %scan3A_31 = arith.constant 5 : i32
      %barrier3A_32 = arith.constant 0 : index
      tpu.barrier barrier_id(%barrier3A_32)
      %scan3A_33 = arith.constant 0 : i32
      %scan3A_34 = arith.constant 0 : i32
      %scan3A_35 = arith.constant 79 : i32
      %scan3A_36 = arith.addi %scan3A_34, %scan3A_35 : i32
      %scan3A_37 = arith.constant 1 : i32
      scf.for %scan3A_46 = %scan3A_34 to %scan3A_36 step %scan3A_37  : i32 {
        %dma_start3A = arith.constant 0 : i32
        %dma_start3A_47 = tpu.memref_slice %arg12[%scan3A_46, %dma_start3A] : memref<79x128xi32, #tpu.memory_space<vmem>> -> memref<1x128xi32, #tpu.memory_space<vmem>>
        %dma_start3A_48 = tpu.memref_squeeze %dma_start3A_47 : memref<1x128xi32, #tpu.memory_space<vmem>> -> memref<128xi32, #tpu.memory_space<vmem>>
        %dma_start3A_49 = arith.constant 0 : i32
        %dma_start3A_50 = arith.constant 0 : i32
        %dma_start3A_51 = tpu.memref_slice %arg5[%dma_start3A_49, %dma_start3A_50] : memref<10240x128xf32, #tpu.memory_space<hbm>> -> memref<10240x128xf32, #tpu.memory_space<hbm>>
        tpu.enqueue_indirect_dma source(%dma_start3A_51 : memref<10240x128xf32, #tpu.memory_space<hbm>>) target(%arg14 : memref<128x128xf32, #tpu.memory_space<vmem>>) offsets(%dma_start3A_48 : memref<128xi32, #tpu.memory_space<vmem>>) semaphore(%arg16 : memref<!tpu.dma_semaphore, #tpu.memory_space<semaphore_mem>>)
        %dma_wait3A = arith.constant 0 : i32
        %dma_wait3A_52 = tpu.memref_slice %arg12[%scan3A_46, %dma_wait3A] : memref<79x128xi32, #tpu.memory_space<vmem>> -> memref<1x128xi32, #tpu.memory_space<vmem>>
        %dma_wait3A_53 = tpu.memref_squeeze %dma_wait3A_52 : memref<1x128xi32, #tpu.memory_space<vmem>> -> memref<128xi32, #tpu.memory_space<vmem>>
        %dma_wait3A_54 = arith.constant 0 : i32
        %dma_wait3A_55 = arith.constant 0 : i32
        %dma_wait3A_56 = tpu.memref_slice %arg5[%dma_wait3A_54, %dma_wait3A_55] : memref<10240x128xf32, #tpu.memory_space<hbm>> -> memref<10240x128xf32, #tpu.memory_space<hbm>>
        tpu.wait_indirect_dma semaphore(%arg16 : memref<!tpu.dma_semaphore, #tpu.memory_space<semaphore_mem>>) src(%dma_wait3A_56 : memref<10240x128xf32, #tpu.memory_space<hbm>>) dst(%arg14 : memref<128x128xf32, #tpu.memory_space<vmem>>)
        "tpu.region"() ({
          %run_scoped3A = tpu.sem_alloc : memref<!tpu.dma_semaphore, #tpu.memory_space<semaphore_mem>>
          %dma_start3A_57 = arith.constant 0 : i32
          %dma_start3A_58 = tpu.memref_slice %arg13[%scan3A_46, %dma_start3A_57] : memref<79x128xi32, #tpu.memory_space<vmem>> -> memref<1x128xi32, #tpu.memory_space<vmem>>
          %dma_start3A_59 = tpu.memref_squeeze %dma_start3A_58 : memref<1x128xi32, #tpu.memory_space<vmem>> -> memref<128xi32, #tpu.memory_space<vmem>>
          %dma_start3A_60 = arith.constant 0 : i32
          %dma_start3A_61 = arith.constant 0 : i32
          %dma_start3A_62 = tpu.memref_slice %arg15[%dma_start3A_60, %dma_start3A_61] : memref<10240x128xf32, #tpu.memory_space<vmem_shared>> -> memref<10240x128xf32, #tpu.memory_space<vmem_shared>>
          tpu.enqueue_indirect_dma source(%arg14 : memref<128x128xf32, #tpu.memory_space<vmem>>) target(%dma_start3A_62 : memref<10240x128xf32, #tpu.memory_space<vmem_shared>>) offsets(%dma_start3A_59 : memref<128xi32, #tpu.memory_space<vmem>>) semaphore(%run_scoped3A : memref<!tpu.dma_semaphore, #tpu.memory_space<semaphore_mem>>) {add = true}
          %dma_wait3A_63 = arith.constant 0 : i32
          %dma_wait3A_64 = tpu.memref_slice %arg13[%scan3A_46, %dma_wait3A_63] : memref<79x128xi32, #tpu.memory_space<vmem>> -> memref<1x128xi32, #tpu.memory_space<vmem>>
          %dma_wait3A_65 = tpu.memref_squeeze %dma_wait3A_64 : memref<1x128xi32, #tpu.memory_space<vmem>> -> memref<128xi32, #tpu.memory_space<vmem>>
          %dma_wait3A_66 = arith.constant 0 : i32
          %dma_wait3A_67 = arith.constant 0 : i32
          %dma_wait3A_68 = tpu.memref_slice %arg15[%dma_wait3A_66, %dma_wait3A_67] : memref<10240x128xf32, #tpu.memory_space<vmem_shared>> -> memref<10240x128xf32, #tpu.memory_space<vmem_shared>>
          tpu.wait_indirect_dma semaphore(%run_scoped3A : memref<!tpu.dma_semaphore, #tpu.memory_space<semaphore_mem>>) src(%arg14 : memref<128x128xf32, #tpu.memory_space<vmem>>) dst(%dma_wait3A_68 : memref<10240x128xf32, #tpu.memory_space<vmem_shared>>)
          tpu.yield
        }) : () -> ()
      }
      %scan3A_38 = arith.constant 79 : i32
      %barrier3A_39 = arith.constant 0 : index
      tpu.barrier barrier_id(%barrier3A_39)
      %scan3A_40 = arith.constant 0 : i32
      %scan3A_41 = arith.constant 0 : i32
      %scan3A_42 = arith.constant 5 : i32
      %scan3A_43 = arith.addi %scan3A_41, %scan3A_42 : i32
      %scan3A_44 = arith.constant 1 : i32
      scf.for %scan3A_46 = %scan3A_41 to %scan3A_43 step %scan3A_44  : i32 {
        %mul3A_47 = arith.constant 128 : i32
        %mul3A_48 = arith.muli %scan3A_46, %mul3A_47 : i32
        %add3A = arith.addi %mul3A_0, %mul3A_48 : i32
        "tpu.region"() ({
          %run_scoped3A = tpu.sem_alloc : memref<!tpu.dma_semaphore, #tpu.memory_space<semaphore_mem>>
          %dma_start3A = arith.constant 0 : i32
          %dma_start3A_49 = tpu.memref_slice %arg15[%add3A, %dma_start3A] : memref<10240x128xf32, #tpu.memory_space<vmem_shared>> -> memref<128x128xf32, #tpu.memory_space<vmem_shared>>
          %dma_start3A_50 = arith.constant 0 : i32
          %dma_start3A_51 = tpu.memref_slice %arg15[%add3A, %dma_start3A_50] : memref<10240x128xf32, #tpu.memory_space<vmem_shared>> -> memref<128x128xf32, #tpu.memory_space<vmem_shared>>
          tpu.enqueue_dma source(%dma_start3A_51 : memref<128x128xf32, #tpu.memory_space<vmem_shared>>) target(%arg14 : memref<128x128xf32, #tpu.memory_space<vmem>>) target_semaphore(%run_scoped3A : memref<!tpu.dma_semaphore, #tpu.memory_space<semaphore_mem>>)
          %dma_wait3A = arith.constant 0 : i32
          %dma_wait3A_52 = tpu.memref_slice %arg15[%add3A, %dma_wait3A] : memref<10240x128xf32, #tpu.memory_space<vmem_shared>> -> memref<128x128xf32, #tpu.memory_space<vmem_shared>>
          %dma_wait3A_53 = arith.constant 0 : i32
          %dma_wait3A_54 = tpu.memref_slice %arg15[%add3A, %dma_wait3A_53] : memref<10240x128xf32, #tpu.memory_space<vmem_shared>> -> memref<128x128xf32, #tpu.memory_space<vmem_shared>>
          tpu.wait_dma2 semaphore(%run_scoped3A : memref<!tpu.dma_semaphore, #tpu.memory_space<semaphore_mem>>) src(%dma_wait3A_54 : memref<128x128xf32, #tpu.memory_space<vmem_shared>>) dst(%arg14 : memref<128x128xf32, #tpu.memory_space<vmem>>)
          tpu.yield
        }) : () -> ()
        "tpu.region"() ({
          %run_scoped3A = tpu.sem_alloc : memref<!tpu.dma_semaphore, #tpu.memory_space<semaphore_mem>>
          %dma_start3A = arith.constant 0 : i32
          %dma_start3A_49 = tpu.memref_slice %arg11[%add3A, %dma_start3A] : memref<10240x128xf32, #tpu.memory_space<hbm>> -> memref<128x128xf32, #tpu.memory_space<hbm>>
          %dma_start3A_50 = arith.constant 0 : i32
          %dma_start3A_51 = tpu.memref_slice %arg11[%add3A, %dma_start3A_50] : memref<10240x128xf32, #tpu.memory_space<hbm>> -> memref<128x128xf32, #tpu.memory_space<hbm>>
          tpu.enqueue_dma source(%arg14 : memref<128x128xf32, #tpu.memory_space<vmem>>) target(%dma_start3A_51 : memref<128x128xf32, #tpu.memory_space<hbm>>) target_semaphore(%run_scoped3A : memref<!tpu.dma_semaphore, #tpu.memory_space<semaphore_mem>>)
          %dma_wait3A = arith.constant 0 : i32
          %dma_wait3A_52 = tpu.memref_slice %arg11[%add3A, %dma_wait3A] : memref<10240x128xf32, #tpu.memory_space<hbm>> -> memref<128x128xf32, #tpu.memory_space<hbm>>
          %dma_wait3A_53 = arith.constant 0 : i32
          %dma_wait3A_54 = tpu.memref_slice %arg11[%add3A, %dma_wait3A_53] : memref<10240x128xf32, #tpu.memory_space<hbm>> -> memref<128x128xf32, #tpu.memory_space<hbm>>
          tpu.wait_dma2 semaphore(%run_scoped3A : memref<!tpu.dma_semaphore, #tpu.memory_space<semaphore_mem>>) src(%arg14 : memref<128x128xf32, #tpu.memory_space<vmem>>) dst(%dma_wait3A_54 : memref<128x128xf32, #tpu.memory_space<hbm>>)
          tpu.yield
        }) : () -> ()
      }
      %scan3A_45 = arith.constant 5 : i32
    } else {
    }
    return
  }
}

#map = affine_map<(d0, d1) -> (0, 0, 0)>
#map1 = affine_map<(d0, d1) -> (0, 0)>
module attributes {stable_mosaic.version = 14 : i64} {
  func.func @_deg_kernel(%arg0: i32, %arg1: i32, %arg2: memref<32x40x128xi32, #tpu.memory_space<hbm>>, %arg3: memref<10240x16xf32, #tpu.memory_space<hbm>>, %arg4: memref<10240x16xf32, #tpu.memory_space<hbm>>, %arg5: memref<40x128xi32, #tpu.memory_space<vmem>>, %arg6: memref<128x16xf32, #tpu.memory_space<vmem>>, %arg7: memref<10240x16xf32, #tpu.memory_space<vmem_shared>>) attributes {dimension_semantics = [#tpu.dimension_semantics<core_parallel>, #tpu.dimension_semantics<subcore_parallel>], iteration_bounds = array<i64: 2, 16>, scalar_prefetch = 0 : i64, scratch_operands = 3 : i64, tpu.core_type = #tpu.core_type<sc_vector_subcore>, window_params = [{transform_indices = #map}, {transform_indices = #map1}, {transform_indices = #map1}]} {
    %mul3A = arith.constant 16 : i32
    %mul3A_0 = arith.muli %arg0, %mul3A : i32
    %add3A = arith.addi %mul3A_0, %arg1 : i32
    "tpu.region"() ({
      %run_scoped3A = tpu.sem_alloc : memref<!tpu.dma_semaphore, #tpu.memory_space<semaphore_mem>>
      %dma_start3A = arith.constant 0 : i32
      %dma_start3A_10 = arith.constant 0 : i32
      %dma_start3A_11 = tpu.memref_slice %arg2[%add3A, %dma_start3A, %dma_start3A_10] : memref<32x40x128xi32, #tpu.memory_space<hbm>> -> memref<1x40x128xi32, #tpu.memory_space<hbm>>
      %dma_start3A_12 = tpu.memref_squeeze %dma_start3A_11 : memref<1x40x128xi32, #tpu.memory_space<hbm>> -> memref<40x128xi32, #tpu.memory_space<hbm>>
      %dma_start3A_13 = arith.constant 0 : i32
      %dma_start3A_14 = arith.constant 0 : i32
      %dma_start3A_15 = tpu.memref_slice %arg2[%add3A, %dma_start3A_13, %dma_start3A_14] : memref<32x40x128xi32, #tpu.memory_space<hbm>> -> memref<1x40x128xi32, #tpu.memory_space<hbm>>
      %dma_start3A_16 = tpu.memref_squeeze %dma_start3A_15 : memref<1x40x128xi32, #tpu.memory_space<hbm>> -> memref<40x128xi32, #tpu.memory_space<hbm>>
      tpu.enqueue_dma source(%dma_start3A_16 : memref<40x128xi32, #tpu.memory_space<hbm>>) target(%arg5 : memref<40x128xi32, #tpu.memory_space<vmem>>) target_semaphore(%run_scoped3A : memref<!tpu.dma_semaphore, #tpu.memory_space<semaphore_mem>>)
      %dma_wait3A = arith.constant 0 : i32
      %dma_wait3A_17 = arith.constant 0 : i32
      %dma_wait3A_18 = tpu.memref_slice %arg2[%add3A, %dma_wait3A, %dma_wait3A_17] : memref<32x40x128xi32, #tpu.memory_space<hbm>> -> memref<1x40x128xi32, #tpu.memory_space<hbm>>
      %dma_wait3A_19 = tpu.memref_squeeze %dma_wait3A_18 : memref<1x40x128xi32, #tpu.memory_space<hbm>> -> memref<40x128xi32, #tpu.memory_space<hbm>>
      %dma_wait3A_20 = arith.constant 0 : i32
      %dma_wait3A_21 = arith.constant 0 : i32
      %dma_wait3A_22 = tpu.memref_slice %arg2[%add3A, %dma_wait3A_20, %dma_wait3A_21] : memref<32x40x128xi32, #tpu.memory_space<hbm>> -> memref<1x40x128xi32, #tpu.memory_space<hbm>>
      %dma_wait3A_23 = tpu.memref_squeeze %dma_wait3A_22 : memref<1x40x128xi32, #tpu.memory_space<hbm>> -> memref<40x128xi32, #tpu.memory_space<hbm>>
      tpu.wait_dma2 semaphore(%run_scoped3A : memref<!tpu.dma_semaphore, #tpu.memory_space<semaphore_mem>>) src(%dma_wait3A_23 : memref<40x128xi32, #tpu.memory_space<hbm>>) dst(%arg5 : memref<40x128xi32, #tpu.memory_space<vmem>>)
      tpu.yield
    }) : () -> ()
    %mul3A_1 = arith.constant 640 : i32
    %mul3A_2 = arith.muli %arg1, %mul3A_1 : i32
    %eq3A = arith.constant 0 : i32
    %eq3A_3 = arith.cmpi eq, %arg0, %eq3A : i32
    %convert_element_type3A = arith.extui %eq3A_3 : i1 to i32
    %cond3A = arith.constant 0 : i32
    %cond3A_4 = arith.cmpi ne, %convert_element_type3A, %cond3A : i32
    scf.if %cond3A_4 {
      %scan3A = arith.constant 0 : i32
      %scan3A_10 = arith.constant 0 : i32
      %scan3A_11 = arith.constant 128 : i32
      %scan3A_12 = arith.addi %scan3A_10, %scan3A_11 : i32
      %scan3A_13 = arith.constant 1 : i32
      scf.for %scan3A_40 = %scan3A_10 to %scan3A_12 step %scan3A_13  : i32 {
        %broadcast_in_dim3A = arith.constant 0.000000e+00 : f32
        %broadcast_in_dim3A_41 = vector.broadcast %broadcast_in_dim3A : f32 to vector<16xf32>
        %swap3A = arith.index_cast %scan3A_40 : i32 to index
        %swap3A_42 = arith.constant 0 : index
        %swap3A_43 = tpu.vector_load %arg6[%swap3A, %swap3A_42] {strides = array<i32>} : memref<128x16xf32, #tpu.memory_space<vmem>>, vector<1x16xf32>,
        %swap3A_44 = vector.shape_cast %swap3A_43 : vector<1x16xf32> to vector<16xf32>
        %swap3A_45 = vector.shape_cast %broadcast_in_dim3A_41 : vector<16xf32> to vector<1x16xf32>
        tpu.vector_store %arg6[%swap3A, %swap3A_42], %swap3A_45 {strides = array<i32>} : memref<128x16xf32, #tpu.memory_space<vmem>>, vector<1x16xf32>,
      }
      %scan3A_14 = arith.constant 128 : i32
      %scan3A_15 = arith.constant 0 : i32
      %scan3A_16 = arith.constant 0 : i32
      %scan3A_17 = arith.constant 5 : i32
      %scan3A_18 = arith.addi %scan3A_16, %scan3A_17 : i32
      %scan3A_19 = arith.constant 1 : i32
      scf.for %scan3A_40 = %scan3A_16 to %scan3A_18 step %scan3A_19  : i32 {
        %mul3A_41 = arith.constant 128 : i32
        %mul3A_42 = arith.muli %scan3A_40, %mul3A_41 : i32
        %add3A_43 = arith.addi %mul3A_2, %mul3A_42 : i32
        "tpu.region"() ({
          %run_scoped3A = tpu.sem_alloc : memref<!tpu.dma_semaphore, #tpu.memory_space<semaphore_mem>>
          %dma_start3A = arith.constant 0 : i32
          %dma_start3A_44 = tpu.memref_slice %arg7[%add3A_43, %dma_start3A] : memref<10240x16xf32, #tpu.memory_space<vmem_shared>> -> memref<128x16xf32, #tpu.memory_space<vmem_shared>>
          %dma_start3A_45 = arith.constant 0 : i32
          %dma_start3A_46 = tpu.memref_slice %arg7[%add3A_43, %dma_start3A_45] : memref<10240x16xf32, #tpu.memory_space<vmem_shared>> -> memref<128x16xf32, #tpu.memory_space<vmem_shared>>
          tpu.enqueue_dma source(%arg6 : memref<128x16xf32, #tpu.memory_space<vmem>>) target(%dma_start3A_46 : memref<128x16xf32, #tpu.memory_space<vmem_shared>>) target_semaphore(%run_scoped3A : memref<!tpu.dma_semaphore, #tpu.memory_space<semaphore_mem>>)
          %dma_wait3A = arith.constant 0 : i32
          %dma_wait3A_47 = tpu.memref_slice %arg7[%add3A_43, %dma_wait3A] : memref<10240x16xf32, #tpu.memory_space<vmem_shared>> -> memref<128x16xf32, #tpu.memory_space<vmem_shared>>
          %dma_wait3A_48 = arith.constant 0 : i32
          %dma_wait3A_49 = tpu.memref_slice %arg7[%add3A_43, %dma_wait3A_48] : memref<10240x16xf32, #tpu.memory_space<vmem_shared>> -> memref<128x16xf32, #tpu.memory_space<vmem_shared>>
          tpu.wait_dma2 semaphore(%run_scoped3A : memref<!tpu.dma_semaphore, #tpu.memory_space<semaphore_mem>>) src(%arg6 : memref<128x16xf32, #tpu.memory_space<vmem>>) dst(%dma_wait3A_49 : memref<128x16xf32, #tpu.memory_space<vmem_shared>>)
          tpu.yield
        }) : () -> ()
      }
      %scan3A_20 = arith.constant 5 : i32
      %barrier3A = arith.constant 0 : index
      tpu.barrier barrier_id(%barrier3A)
      %scan3A_21 = arith.constant 0 : i32
      %scan3A_22 = arith.constant 0 : i32
      %scan3A_23 = arith.constant 128 : i32
      %scan3A_24 = arith.addi %scan3A_22, %scan3A_23 : i32
      %scan3A_25 = arith.constant 1 : i32
      scf.for %scan3A_40 = %scan3A_22 to %scan3A_24 step %scan3A_25  : i32 {
        %broadcast_in_dim3A = arith.constant 1.000000e+00 : f32
        %broadcast_in_dim3A_41 = vector.broadcast %broadcast_in_dim3A : f32 to vector<16xf32>
        %swap3A = arith.index_cast %scan3A_40 : i32 to index
        %swap3A_42 = arith.constant 0 : index
        %swap3A_43 = tpu.vector_load %arg6[%swap3A, %swap3A_42] {strides = array<i32>} : memref<128x16xf32, #tpu.memory_space<vmem>>, vector<1x16xf32>,
        %swap3A_44 = vector.shape_cast %swap3A_43 : vector<1x16xf32> to vector<16xf32>
        %swap3A_45 = vector.shape_cast %broadcast_in_dim3A_41 : vector<16xf32> to vector<1x16xf32>
        tpu.vector_store %arg6[%swap3A, %swap3A_42], %swap3A_45 {strides = array<i32>} : memref<128x16xf32, #tpu.memory_space<vmem>>, vector<1x16xf32>,
      }
      %scan3A_26 = arith.constant 128 : i32
      %scan3A_27 = arith.constant 0 : i32
      %scan3A_28 = arith.constant 0 : i32
      %scan3A_29 = arith.constant 40 : i32
      %scan3A_30 = arith.addi %scan3A_28, %scan3A_29 : i32
      %scan3A_31 = arith.constant 1 : i32
      scf.for %scan3A_40 = %scan3A_28 to %scan3A_30 step %scan3A_31  : i32 {
        "tpu.region"() ({
          %run_scoped3A = tpu.sem_alloc : memref<!tpu.dma_semaphore, #tpu.memory_space<semaphore_mem>>
          %dma_start3A = arith.constant 0 : i32
          %dma_start3A_41 = tpu.memref_slice %arg5[%scan3A_40, %dma_start3A] : memref<40x128xi32, #tpu.memory_space<vmem>> -> memref<1x128xi32, #tpu.memory_space<vmem>>
          %dma_start3A_42 = tpu.memref_squeeze %dma_start3A_41 : memref<1x128xi32, #tpu.memory_space<vmem>> -> memref<128xi32, #tpu.memory_space<vmem>>
          %dma_start3A_43 = arith.constant 0 : i32
          %dma_start3A_44 = arith.constant 0 : i32
          %dma_start3A_45 = tpu.memref_slice %arg7[%dma_start3A_43, %dma_start3A_44] : memref<10240x16xf32, #tpu.memory_space<vmem_shared>> -> memref<10240x16xf32, #tpu.memory_space<vmem_shared>>
          tpu.enqueue_indirect_dma source(%arg6 : memref<128x16xf32, #tpu.memory_space<vmem>>) target(%dma_start3A_45 : memref<10240x16xf32, #tpu.memory_space<vmem_shared>>) offsets(%dma_start3A_42 : memref<128xi32, #tpu.memory_space<vmem>>) semaphore(%run_scoped3A : memref<!tpu.dma_semaphore, #tpu.memory_space<semaphore_mem>>) {add = true}
          %dma_wait3A = arith.constant 0 : i32
          %dma_wait3A_46 = tpu.memref_slice %arg5[%scan3A_40, %dma_wait3A] : memref<40x128xi32, #tpu.memory_space<vmem>> -> memref<1x128xi32, #tpu.memory_space<vmem>>
          %dma_wait3A_47 = tpu.memref_squeeze %dma_wait3A_46 : memref<1x128xi32, #tpu.memory_space<vmem>> -> memref<128xi32, #tpu.memory_space<vmem>>
          %dma_wait3A_48 = arith.constant 0 : i32
          %dma_wait3A_49 = arith.constant 0 : i32
          %dma_wait3A_50 = tpu.memref_slice %arg7[%dma_wait3A_48, %dma_wait3A_49] : memref<10240x16xf32, #tpu.memory_space<vmem_shared>> -> memref<10240x16xf32, #tpu.memory_space<vmem_shared>>
          tpu.wait_indirect_dma semaphore(%run_scoped3A : memref<!tpu.dma_semaphore, #tpu.memory_space<semaphore_mem>>) src(%arg6 : memref<128x16xf32, #tpu.memory_space<vmem>>) dst(%dma_wait3A_50 : memref<10240x16xf32, #tpu.memory_space<vmem_shared>>)
          tpu.yield
        }) : () -> ()
      }
      %scan3A_32 = arith.constant 40 : i32
      %barrier3A_33 = arith.constant 0 : index
      tpu.barrier barrier_id(%barrier3A_33)
      %scan3A_34 = arith.constant 0 : i32
      %scan3A_35 = arith.constant 0 : i32
      %scan3A_36 = arith.constant 5 : i32
      %scan3A_37 = arith.addi %scan3A_35, %scan3A_36 : i32
      %scan3A_38 = arith.constant 1 : i32
      scf.for %scan3A_40 = %scan3A_35 to %scan3A_37 step %scan3A_38  : i32 {
        %mul3A_41 = arith.constant 128 : i32
        %mul3A_42 = arith.muli %scan3A_40, %mul3A_41 : i32
        %add3A_43 = arith.addi %mul3A_2, %mul3A_42 : i32
        "tpu.region"() ({
          %run_scoped3A = tpu.sem_alloc : memref<!tpu.dma_semaphore, #tpu.memory_space<semaphore_mem>>
          %dma_start3A = arith.constant 0 : i32
          %dma_start3A_44 = tpu.memref_slice %arg7[%add3A_43, %dma_start3A] : memref<10240x16xf32, #tpu.memory_space<vmem_shared>> -> memref<128x16xf32, #tpu.memory_space<vmem_shared>>
          %dma_start3A_45 = arith.constant 0 : i32
          %dma_start3A_46 = tpu.memref_slice %arg7[%add3A_43, %dma_start3A_45] : memref<10240x16xf32, #tpu.memory_space<vmem_shared>> -> memref<128x16xf32, #tpu.memory_space<vmem_shared>>
          tpu.enqueue_dma source(%dma_start3A_46 : memref<128x16xf32, #tpu.memory_space<vmem_shared>>) target(%arg6 : memref<128x16xf32, #tpu.memory_space<vmem>>) target_semaphore(%run_scoped3A : memref<!tpu.dma_semaphore, #tpu.memory_space<semaphore_mem>>)
          %dma_wait3A = arith.constant 0 : i32
          %dma_wait3A_47 = tpu.memref_slice %arg7[%add3A_43, %dma_wait3A] : memref<10240x16xf32, #tpu.memory_space<vmem_shared>> -> memref<128x16xf32, #tpu.memory_space<vmem_shared>>
          %dma_wait3A_48 = arith.constant 0 : i32
          %dma_wait3A_49 = tpu.memref_slice %arg7[%add3A_43, %dma_wait3A_48] : memref<10240x16xf32, #tpu.memory_space<vmem_shared>> -> memref<128x16xf32, #tpu.memory_space<vmem_shared>>
          tpu.wait_dma2 semaphore(%run_scoped3A : memref<!tpu.dma_semaphore, #tpu.memory_space<semaphore_mem>>) src(%dma_wait3A_49 : memref<128x16xf32, #tpu.memory_space<vmem_shared>>) dst(%arg6 : memref<128x16xf32, #tpu.memory_space<vmem>>)
          tpu.yield
        }) : () -> ()
        "tpu.region"() ({
          %run_scoped3A = tpu.sem_alloc : memref<!tpu.dma_semaphore, #tpu.memory_space<semaphore_mem>>
          %dma_start3A = arith.constant 0 : i32
          %dma_start3A_44 = tpu.memref_slice %arg3[%add3A_43, %dma_start3A] : memref<10240x16xf32, #tpu.memory_space<hbm>> -> memref<128x16xf32, #tpu.memory_space<hbm>>
          %dma_start3A_45 = arith.constant 0 : i32
          %dma_start3A_46 = tpu.memref_slice %arg3[%add3A_43, %dma_start3A_45] : memref<10240x16xf32, #tpu.memory_space<hbm>> -> memref<128x16xf32, #tpu.memory_space<hbm>>
          tpu.enqueue_dma source(%arg6 : memref<128x16xf32, #tpu.memory_space<vmem>>) target(%dma_start3A_46 : memref<128x16xf32, #tpu.memory_space<hbm>>) target_semaphore(%run_scoped3A : memref<!tpu.dma_semaphore, #tpu.memory_space<semaphore_mem>>)
          %dma_wait3A = arith.constant 0 : i32
          %dma_wait3A_47 = tpu.memref_slice %arg3[%add3A_43, %dma_wait3A] : memref<10240x16xf32, #tpu.memory_space<hbm>> -> memref<128x16xf32, #tpu.memory_space<hbm>>
          %dma_wait3A_48 = arith.constant 0 : i32
          %dma_wait3A_49 = tpu.memref_slice %arg3[%add3A_43, %dma_wait3A_48] : memref<10240x16xf32, #tpu.memory_space<hbm>> -> memref<128x16xf32, #tpu.memory_space<hbm>>
          tpu.wait_dma2 semaphore(%run_scoped3A : memref<!tpu.dma_semaphore, #tpu.memory_space<semaphore_mem>>) src(%arg6 : memref<128x16xf32, #tpu.memory_space<vmem>>) dst(%dma_wait3A_49 : memref<128x16xf32, #tpu.memory_space<hbm>>)
          tpu.yield
        }) : () -> ()
      }
      %scan3A_39 = arith.constant 5 : i32
    } else {
    }
    %eq3A_5 = arith.constant 1 : i32
    %eq3A_6 = arith.cmpi eq, %arg0, %eq3A_5 : i32
    %convert_element_type3A_7 = arith.extui %eq3A_6 : i1 to i32
    %cond3A_8 = arith.constant 0 : i32
    %cond3A_9 = arith.cmpi ne, %convert_element_type3A_7, %cond3A_8 : i32
    scf.if %cond3A_9 {
      %scan3A = arith.constant 0 : i32
      %scan3A_10 = arith.constant 0 : i32
      %scan3A_11 = arith.constant 128 : i32
      %scan3A_12 = arith.addi %scan3A_10, %scan3A_11 : i32
      %scan3A_13 = arith.constant 1 : i32
      scf.for %scan3A_40 = %scan3A_10 to %scan3A_12 step %scan3A_13  : i32 {
        %broadcast_in_dim3A = arith.constant 0.000000e+00 : f32
        %broadcast_in_dim3A_41 = vector.broadcast %broadcast_in_dim3A : f32 to vector<16xf32>
        %swap3A = arith.index_cast %scan3A_40 : i32 to index
        %swap3A_42 = arith.constant 0 : index
        %swap3A_43 = tpu.vector_load %arg6[%swap3A, %swap3A_42] {strides = array<i32>} : memref<128x16xf32, #tpu.memory_space<vmem>>, vector<1x16xf32>,
        %swap3A_44 = vector.shape_cast %swap3A_43 : vector<1x16xf32> to vector<16xf32>
        %swap3A_45 = vector.shape_cast %broadcast_in_dim3A_41 : vector<16xf32> to vector<1x16xf32>
        tpu.vector_store %arg6[%swap3A, %swap3A_42], %swap3A_45 {strides = array<i32>} : memref<128x16xf32, #tpu.memory_space<vmem>>, vector<1x16xf32>,
      }
      %scan3A_14 = arith.constant 128 : i32
      %scan3A_15 = arith.constant 0 : i32
      %scan3A_16 = arith.constant 0 : i32
      %scan3A_17 = arith.constant 5 : i32
      %scan3A_18 = arith.addi %scan3A_16, %scan3A_17 : i32
      %scan3A_19 = arith.constant 1 : i32
      scf.for %scan3A_40 = %scan3A_16 to %scan3A_18 step %scan3A_19  : i32 {
        %mul3A_41 = arith.constant 128 : i32
        %mul3A_42 = arith.muli %scan3A_40, %mul3A_41 : i32
        %add3A_43 = arith.addi %mul3A_2, %mul3A_42 : i32
        "tpu.region"() ({
          %run_scoped3A = tpu.sem_alloc : memref<!tpu.dma_semaphore, #tpu.memory_space<semaphore_mem>>
          %dma_start3A = arith.constant 0 : i32
          %dma_start3A_44 = tpu.memref_slice %arg7[%add3A_43, %dma_start3A] : memref<10240x16xf32, #tpu.memory_space<vmem_shared>> -> memref<128x16xf32, #tpu.memory_space<vmem_shared>>
          %dma_start3A_45 = arith.constant 0 : i32
          %dma_start3A_46 = tpu.memref_slice %arg7[%add3A_43, %dma_start3A_45] : memref<10240x16xf32, #tpu.memory_space<vmem_shared>> -> memref<128x16xf32, #tpu.memory_space<vmem_shared>>
          tpu.enqueue_dma source(%arg6 : memref<128x16xf32, #tpu.memory_space<vmem>>) target(%dma_start3A_46 : memref<128x16xf32, #tpu.memory_space<vmem_shared>>) target_semaphore(%run_scoped3A : memref<!tpu.dma_semaphore, #tpu.memory_space<semaphore_mem>>)
          %dma_wait3A = arith.constant 0 : i32
          %dma_wait3A_47 = tpu.memref_slice %arg7[%add3A_43, %dma_wait3A] : memref<10240x16xf32, #tpu.memory_space<vmem_shared>> -> memref<128x16xf32, #tpu.memory_space<vmem_shared>>
          %dma_wait3A_48 = arith.constant 0 : i32
          %dma_wait3A_49 = tpu.memref_slice %arg7[%add3A_43, %dma_wait3A_48] : memref<10240x16xf32, #tpu.memory_space<vmem_shared>> -> memref<128x16xf32, #tpu.memory_space<vmem_shared>>
          tpu.wait_dma2 semaphore(%run_scoped3A : memref<!tpu.dma_semaphore, #tpu.memory_space<semaphore_mem>>) src(%arg6 : memref<128x16xf32, #tpu.memory_space<vmem>>) dst(%dma_wait3A_49 : memref<128x16xf32, #tpu.memory_space<vmem_shared>>)
          tpu.yield
        }) : () -> ()
      }
      %scan3A_20 = arith.constant 5 : i32
      %barrier3A = arith.constant 0 : index
      tpu.barrier barrier_id(%barrier3A)
      %scan3A_21 = arith.constant 0 : i32
      %scan3A_22 = arith.constant 0 : i32
      %scan3A_23 = arith.constant 128 : i32
      %scan3A_24 = arith.addi %scan3A_22, %scan3A_23 : i32
      %scan3A_25 = arith.constant 1 : i32
      scf.for %scan3A_40 = %scan3A_22 to %scan3A_24 step %scan3A_25  : i32 {
        %broadcast_in_dim3A = arith.constant 1.000000e+00 : f32
        %broadcast_in_dim3A_41 = vector.broadcast %broadcast_in_dim3A : f32 to vector<16xf32>
        %swap3A = arith.index_cast %scan3A_40 : i32 to index
        %swap3A_42 = arith.constant 0 : index
        %swap3A_43 = tpu.vector_load %arg6[%swap3A, %swap3A_42] {strides = array<i32>} : memref<128x16xf32, #tpu.memory_space<vmem>>, vector<1x16xf32>,
        %swap3A_44 = vector.shape_cast %swap3A_43 : vector<1x16xf32> to vector<16xf32>
        %swap3A_45 = vector.shape_cast %broadcast_in_dim3A_41 : vector<16xf32> to vector<1x16xf32>
        tpu.vector_store %arg6[%swap3A, %swap3A_42], %swap3A_45 {strides = array<i32>} : memref<128x16xf32, #tpu.memory_space<vmem>>, vector<1x16xf32>,
      }
      %scan3A_26 = arith.constant 128 : i32
      %scan3A_27 = arith.constant 0 : i32
      %scan3A_28 = arith.constant 0 : i32
      %scan3A_29 = arith.constant 40 : i32
      %scan3A_30 = arith.addi %scan3A_28, %scan3A_29 : i32
      %scan3A_31 = arith.constant 1 : i32
      scf.for %scan3A_40 = %scan3A_28 to %scan3A_30 step %scan3A_31  : i32 {
        "tpu.region"() ({
          %run_scoped3A = tpu.sem_alloc : memref<!tpu.dma_semaphore, #tpu.memory_space<semaphore_mem>>
          %dma_start3A = arith.constant 0 : i32
          %dma_start3A_41 = tpu.memref_slice %arg5[%scan3A_40, %dma_start3A] : memref<40x128xi32, #tpu.memory_space<vmem>> -> memref<1x128xi32, #tpu.memory_space<vmem>>
          %dma_start3A_42 = tpu.memref_squeeze %dma_start3A_41 : memref<1x128xi32, #tpu.memory_space<vmem>> -> memref<128xi32, #tpu.memory_space<vmem>>
          %dma_start3A_43 = arith.constant 0 : i32
          %dma_start3A_44 = arith.constant 0 : i32
          %dma_start3A_45 = tpu.memref_slice %arg7[%dma_start3A_43, %dma_start3A_44] : memref<10240x16xf32, #tpu.memory_space<vmem_shared>> -> memref<10240x16xf32, #tpu.memory_space<vmem_shared>>
          tpu.enqueue_indirect_dma source(%arg6 : memref<128x16xf32, #tpu.memory_space<vmem>>) target(%dma_start3A_45 : memref<10240x16xf32, #tpu.memory_space<vmem_shared>>) offsets(%dma_start3A_42 : memref<128xi32, #tpu.memory_space<vmem>>) semaphore(%run_scoped3A : memref<!tpu.dma_semaphore, #tpu.memory_space<semaphore_mem>>) {add = true}
          %dma_wait3A = arith.constant 0 : i32
          %dma_wait3A_46 = tpu.memref_slice %arg5[%scan3A_40, %dma_wait3A] : memref<40x128xi32, #tpu.memory_space<vmem>> -> memref<1x128xi32, #tpu.memory_space<vmem>>
          %dma_wait3A_47 = tpu.memref_squeeze %dma_wait3A_46 : memref<1x128xi32, #tpu.memory_space<vmem>> -> memref<128xi32, #tpu.memory_space<vmem>>
          %dma_wait3A_48 = arith.constant 0 : i32
          %dma_wait3A_49 = arith.constant 0 : i32
          %dma_wait3A_50 = tpu.memref_slice %arg7[%dma_wait3A_48, %dma_wait3A_49] : memref<10240x16xf32, #tpu.memory_space<vmem_shared>> -> memref<10240x16xf32, #tpu.memory_space<vmem_shared>>
          tpu.wait_indirect_dma semaphore(%run_scoped3A : memref<!tpu.dma_semaphore, #tpu.memory_space<semaphore_mem>>) src(%arg6 : memref<128x16xf32, #tpu.memory_space<vmem>>) dst(%dma_wait3A_50 : memref<10240x16xf32, #tpu.memory_space<vmem_shared>>)
          tpu.yield
        }) : () -> ()
      }
      %scan3A_32 = arith.constant 40 : i32
      %barrier3A_33 = arith.constant 0 : index
      tpu.barrier barrier_id(%barrier3A_33)
      %scan3A_34 = arith.constant 0 : i32
      %scan3A_35 = arith.constant 0 : i32
      %scan3A_36 = arith.constant 5 : i32
      %scan3A_37 = arith.addi %scan3A_35, %scan3A_36 : i32
      %scan3A_38 = arith.constant 1 : i32
      scf.for %scan3A_40 = %scan3A_35 to %scan3A_37 step %scan3A_38  : i32 {
        %mul3A_41 = arith.constant 128 : i32
        %mul3A_42 = arith.muli %scan3A_40, %mul3A_41 : i32
        %add3A_43 = arith.addi %mul3A_2, %mul3A_42 : i32
        "tpu.region"() ({
          %run_scoped3A = tpu.sem_alloc : memref<!tpu.dma_semaphore, #tpu.memory_space<semaphore_mem>>
          %dma_start3A = arith.constant 0 : i32
          %dma_start3A_44 = tpu.memref_slice %arg7[%add3A_43, %dma_start3A] : memref<10240x16xf32, #tpu.memory_space<vmem_shared>> -> memref<128x16xf32, #tpu.memory_space<vmem_shared>>
          %dma_start3A_45 = arith.constant 0 : i32
          %dma_start3A_46 = tpu.memref_slice %arg7[%add3A_43, %dma_start3A_45] : memref<10240x16xf32, #tpu.memory_space<vmem_shared>> -> memref<128x16xf32, #tpu.memory_space<vmem_shared>>
          tpu.enqueue_dma source(%dma_start3A_46 : memref<128x16xf32, #tpu.memory_space<vmem_shared>>) target(%arg6 : memref<128x16xf32, #tpu.memory_space<vmem>>) target_semaphore(%run_scoped3A : memref<!tpu.dma_semaphore, #tpu.memory_space<semaphore_mem>>)
          %dma_wait3A = arith.constant 0 : i32
          %dma_wait3A_47 = tpu.memref_slice %arg7[%add3A_43, %dma_wait3A] : memref<10240x16xf32, #tpu.memory_space<vmem_shared>> -> memref<128x16xf32, #tpu.memory_space<vmem_shared>>
          %dma_wait3A_48 = arith.constant 0 : i32
          %dma_wait3A_49 = tpu.memref_slice %arg7[%add3A_43, %dma_wait3A_48] : memref<10240x16xf32, #tpu.memory_space<vmem_shared>> -> memref<128x16xf32, #tpu.memory_space<vmem_shared>>
          tpu.wait_dma2 semaphore(%run_scoped3A : memref<!tpu.dma_semaphore, #tpu.memory_space<semaphore_mem>>) src(%dma_wait3A_49 : memref<128x16xf32, #tpu.memory_space<vmem_shared>>) dst(%arg6 : memref<128x16xf32, #tpu.memory_space<vmem>>)
          tpu.yield
        }) : () -> ()
        "tpu.region"() ({
          %run_scoped3A = tpu.sem_alloc : memref<!tpu.dma_semaphore, #tpu.memory_space<semaphore_mem>>
          %dma_start3A = arith.constant 0 : i32
          %dma_start3A_44 = tpu.memref_slice %arg4[%add3A_43, %dma_start3A] : memref<10240x16xf32, #tpu.memory_space<hbm>> -> memref<128x16xf32, #tpu.memory_space<hbm>>
          %dma_start3A_45 = arith.constant 0 : i32
          %dma_start3A_46 = tpu.memref_slice %arg4[%add3A_43, %dma_start3A_45] : memref<10240x16xf32, #tpu.memory_space<hbm>> -> memref<128x16xf32, #tpu.memory_space<hbm>>
          tpu.enqueue_dma source(%arg6 : memref<128x16xf32, #tpu.memory_space<vmem>>) target(%dma_start3A_46 : memref<128x16xf32, #tpu.memory_space<hbm>>) target_semaphore(%run_scoped3A : memref<!tpu.dma_semaphore, #tpu.memory_space<semaphore_mem>>)
          %dma_wait3A = arith.constant 0 : i32
          %dma_wait3A_47 = tpu.memref_slice %arg4[%add3A_43, %dma_wait3A] : memref<10240x16xf32, #tpu.memory_space<hbm>> -> memref<128x16xf32, #tpu.memory_space<hbm>>
          %dma_wait3A_48 = arith.constant 0 : i32
          %dma_wait3A_49 = tpu.memref_slice %arg4[%add3A_43, %dma_wait3A_48] : memref<10240x16xf32, #tpu.memory_space<hbm>> -> memref<128x16xf32, #tpu.memory_space<hbm>>
          tpu.wait_dma2 semaphore(%run_scoped3A : memref<!tpu.dma_semaphore, #tpu.memory_space<semaphore_mem>>) src(%arg6 : memref<128x16xf32, #tpu.memory_space<vmem>>) dst(%dma_wait3A_49 : memref<128x16xf32, #tpu.memory_space<hbm>>)
          tpu.yield
        }) : () -> ()
      }
      %scan3A_39 = arith.constant 5 : i32
    } else {
    }
    return
  }
}

module attributes {stable_mosaic.version = 14 : i64} {
  func.func @_mm_body(%arg0: i32, %arg1: memref<1024x256xf32, #tpu.memory_space<vmem>>, %arg2: memref<1024x256xf32, #tpu.memory_space<vmem>>, %arg3: memref<256x256xf32, #tpu.memory_space<vmem>>, %arg4: memref<1024x256xf32, #tpu.memory_space<vmem>>, %arg5: memref<1024x256xf32, #tpu.memory_space<vmem>>) attributes {dimension_semantics = [#tpu.dimension_semantics<arbitrary>], iteration_bounds = array<i64: 10>, scalar_prefetch = 0 : i64, scratch_operands = 0 : i64, tpu.core_type = #tpu.core_type<tc>, window_params = [{transform_indices = @transform_0, window_bounds = array<i64: 1024, 256>}, {transform_indices = @transform_1, window_bounds = array<i64: 1024, 256>}, {pipeline_mode = #tpu.pipeline_mode<synchronous>, transform_indices = @transform_2, window_bounds = array<i64: 256, 256>}, {transform_indices = @transform_3, window_bounds = array<i64: 1024, 256>}, {transform_indices = @transform_4, window_bounds = array<i64: 1024, 256>}]} {
    %get3A = arith.constant 0 : index
    %get3A_0 = arith.constant 0 : index
    %get3A_1 = vector.load %arg3[%get3A, %get3A_0] : memref<256x256xf32, #tpu.memory_space<vmem>>, vector<256x256xf32>
    %get3A_2 = arith.constant 0 : index
    %get3A_3 = arith.constant 0 : index
    %get3A_4 = vector.load %arg1[%get3A_2, %get3A_3] : memref<1024x256xf32, #tpu.memory_space<vmem>>, vector<1024x256xf32>
    %dot_general3A = arith.constant dense<0.000000e+00> : vector<1024x256xf32>
    %dot_general3A_5 = tpu.matmul %get3A_4, %get3A_1, %dot_general3A {dimension_numbers = #tpu.dot_dimension_numbers<[1], [0], [0], [1], [0, 0, 1, 1], [], []>, transpose_lhs_hint = false} : vector<1024x256xf32>, vector<256x256xf32>, vector<1024x256xf32> -> vector<1024x256xf32>
    %swap3A = arith.constant 0 : index
    %swap3A_6 = arith.constant 0 : index
    %swap3A_7 = vector.load %arg4[%swap3A, %swap3A_6] : memref<1024x256xf32, #tpu.memory_space<vmem>>, vector<1024x256xf32>
    tpu.vector_store %arg4[%swap3A, %swap3A_6], %dot_general3A_5 {strides = array<i32>} : memref<1024x256xf32, #tpu.memory_space<vmem>>, vector<1024x256xf32>,
    %get3A_8 = arith.constant 0 : index
    %get3A_9 = arith.constant 0 : index
    %get3A_10 = vector.load %arg2[%get3A_8, %get3A_9] : memref<1024x256xf32, #tpu.memory_space<vmem>>, vector<1024x256xf32>
    %dot_general3A_11 = arith.constant dense<0.000000e+00> : vector<1024x256xf32>
    %dot_general3A_12 = tpu.matmul %get3A_10, %get3A_1, %dot_general3A_11 {dimension_numbers = #tpu.dot_dimension_numbers<[1], [0], [0], [1], [0, 0, 1, 1], [], []>, transpose_lhs_hint = false} : vector<1024x256xf32>, vector<256x256xf32>, vector<1024x256xf32> -> vector<1024x256xf32>
    %swap3A_13 = arith.constant 0 : index
    %swap3A_14 = arith.constant 0 : index
    %swap3A_15 = vector.load %arg5[%swap3A_13, %swap3A_14] : memref<1024x256xf32, #tpu.memory_space<vmem>>, vector<1024x256xf32>
    tpu.vector_store %arg5[%swap3A_13, %swap3A_14], %dot_general3A_12 {strides = array<i32>} : memref<1024x256xf32, #tpu.memory_space<vmem>>, vector<1024x256xf32>,
    return
  }
  func.func @transform_0(%arg0: i32) -> (i32, i32) {
    %c0_i32 = arith.constant 0 : i32
    %c0_i32_0 = arith.constant 0 : i32
    return %arg0, %c0_i32 : i32, i32
  }
  func.func @transform_1(%arg0: i32) -> (i32, i32) {
    %c0_i32 = arith.constant 0 : i32
    %c0_i32_0 = arith.constant 0 : i32
    return %arg0, %c0_i32 : i32, i32
  }
  func.func @transform_2(%arg0: i32) -> (i32, i32) {
    %c0_i32 = arith.constant 0 : i32
    %c0_i32_0 = arith.constant 0 : i32
    %c0_i32_1 = arith.constant 0 : i32
    return %c0_i32, %c0_i32_0 : i32, i32
  }
  func.func @transform_3(%arg0: i32) -> (i32, i32) {
    %c0_i32 = arith.constant 0 : i32
    %c0_i32_0 = arith.constant 0 : i32
    return %arg0, %c0_i32 : i32, i32
  }
  func.func @transform_4(%arg0: i32) -> (i32, i32) {
    %c0_i32 = arith.constant 0 : i32
    %c0_i32_0 = arith.constant 0 : i32
    return %arg0, %c0_i32 : i32, i32
  }
}

module attributes {stable_mosaic.version = 14 : i64} {
  func.func @_scale_body(%arg0: i32, %arg1: memref<1024x256xf32, #tpu.memory_space<vmem>>, %arg2: memref<1024x256xf32, #tpu.memory_space<vmem>>, %arg3: memref<1024x16xf32, #tpu.memory_space<vmem>>, %arg4: memref<1024x16xf32, #tpu.memory_space<vmem>>, %arg5: memref<1024x128xf32, #tpu.memory_space<vmem>>, %arg6: memref<1024x128xf32, #tpu.memory_space<vmem>>, %arg7: memref<1024x128xf32, #tpu.memory_space<vmem>>, %arg8: memref<1024x128xf32, #tpu.memory_space<vmem>>, %arg9: memref<1024xf32, #tpu.memory_space<vmem>>) attributes {dimension_semantics = [#tpu.dimension_semantics<arbitrary>], iteration_bounds = array<i64: 10>, scalar_prefetch = 0 : i64, scratch_operands = 0 : i64, tpu.core_type = #tpu.core_type<tc>, window_params = [{transform_indices = @transform_0, window_bounds = array<i64: 1024, 256>}, {transform_indices = @transform_1, window_bounds = array<i64: 1024, 256>}, {transform_indices = @transform_2, window_bounds = array<i64: 1024, 16>}, {transform_indices = @transform_3, window_bounds = array<i64: 1024, 16>}, {transform_indices = @transform_4, window_bounds = array<i64: 1024, 128>}, {transform_indices = @transform_5, window_bounds = array<i64: 1024, 128>}, {transform_indices = @transform_6, window_bounds = array<i64: 1024, 128>}, {transform_indices = @transform_7, window_bounds = array<i64: 1024, 128>}, {transform_indices = @transform_8, window_bounds = array<i64: 1024>}]} {
    %get3A = arith.constant 0 : index
    %get3A_0 = arith.constant 0 : index
    %get3A_1 = vector.load %arg3[%get3A, %get3A_0] : memref<1024x16xf32, #tpu.memory_space<vmem>>, vector<1024x16xf32>
    %slice3A = vector.extract_strided_slice %get3A_1 {offsets = [0, 0], sizes = [1024, 1], strides = [1, 1]} : vector<1024x16xf32> to vector<1024x1xf32>
    %squeeze3A = vector.shape_cast %slice3A : vector<1024x1xf32> to vector<1024xf32>
    %get3A_2 = arith.constant 0 : index
    %get3A_3 = arith.constant 0 : index
    %get3A_4 = vector.load %arg4[%get3A_2, %get3A_3] : memref<1024x16xf32, #tpu.memory_space<vmem>>, vector<1024x16xf32>
    %slice3A_5 = vector.extract_strided_slice %get3A_4 {offsets = [0, 0], sizes = [1024, 1], strides = [1, 1]} : vector<1024x16xf32> to vector<1024x1xf32>
    %squeeze3A_6 = vector.shape_cast %slice3A_5 : vector<1024x1xf32> to vector<1024xf32>
    %add3A = arith.addf %squeeze3A, %squeeze3A_6 : vector<1024xf32>
    %add3A_7 = arith.constant 1.000000e+00 : f32
    %add3A_8 = vector.broadcast %add3A_7 : f32 to vector<1024xf32>
    %add3A_9 = arith.addf %add3A, %add3A_8 : vector<1024xf32>
    %rsqrt3A = math.rsqrt %add3A_9 : vector<1024xf32>
    %get3A_10 = arith.constant 0 : index
    %get3A_11 = arith.constant 0 : index
    %get3A_12 = vector.load %arg1[%get3A_10, %get3A_11] : memref<1024x256xf32, #tpu.memory_space<vmem>>, vector<1024x256xf32>
    %broadcast_in_dim3A = vector.shape_cast %rsqrt3A : vector<1024xf32> to vector<1024x1xf32>
    %mul3A = vector.broadcast %broadcast_in_dim3A : vector<1024x1xf32> to vector<1024x256xf32>
    %mul3A_13 = arith.mulf %get3A_12, %mul3A : vector<1024x256xf32>
    %get3A_14 = arith.constant 0 : index
    %get3A_15 = arith.constant 0 : index
    %get3A_16 = vector.load %arg2[%get3A_14, %get3A_15] : memref<1024x256xf32, #tpu.memory_space<vmem>>, vector<1024x256xf32>
    %broadcast_in_dim3A_17 = vector.shape_cast %rsqrt3A : vector<1024xf32> to vector<1024x1xf32>
    %mul3A_18 = vector.broadcast %broadcast_in_dim3A_17 : vector<1024x1xf32> to vector<1024x256xf32>
    %mul3A_19 = arith.mulf %get3A_16, %mul3A_18 : vector<1024x256xf32>
    %slice3A_20 = vector.extract_strided_slice %mul3A_13 {offsets = [0, 0], sizes = [1024, 128], strides = [1, 1]} : vector<1024x256xf32> to vector<1024x128xf32>
    %swap3A = arith.constant 0 : index
    %swap3A_21 = arith.constant 0 : index
    %swap3A_22 = vector.load %arg5[%swap3A, %swap3A_21] : memref<1024x128xf32, #tpu.memory_space<vmem>>, vector<1024x128xf32>
    tpu.vector_store %arg5[%swap3A, %swap3A_21], %slice3A_20 {strides = array<i32>} : memref<1024x128xf32, #tpu.memory_space<vmem>>, vector<1024x128xf32>,
    %slice3A_23 = vector.extract_strided_slice %mul3A_13 {offsets = [0, 128], sizes = [1024, 128], strides = [1, 1]} : vector<1024x256xf32> to vector<1024x128xf32>
    %swap3A_24 = arith.constant 0 : index
    %swap3A_25 = arith.constant 0 : index
    %swap3A_26 = vector.load %arg6[%swap3A_24, %swap3A_25] : memref<1024x128xf32, #tpu.memory_space<vmem>>, vector<1024x128xf32>
    tpu.vector_store %arg6[%swap3A_24, %swap3A_25], %slice3A_23 {strides = array<i32>} : memref<1024x128xf32, #tpu.memory_space<vmem>>, vector<1024x128xf32>,
    %slice3A_27 = vector.extract_strided_slice %mul3A_19 {offsets = [0, 0], sizes = [1024, 128], strides = [1, 1]} : vector<1024x256xf32> to vector<1024x128xf32>
    %swap3A_28 = arith.constant 0 : index
    %swap3A_29 = arith.constant 0 : index
    %swap3A_30 = vector.load %arg7[%swap3A_28, %swap3A_29] : memref<1024x128xf32, #tpu.memory_space<vmem>>, vector<1024x128xf32>
    tpu.vector_store %arg7[%swap3A_28, %swap3A_29], %slice3A_27 {strides = array<i32>} : memref<1024x128xf32, #tpu.memory_space<vmem>>, vector<1024x128xf32>,
    %slice3A_31 = vector.extract_strided_slice %mul3A_19 {offsets = [0, 128], sizes = [1024, 128], strides = [1, 1]} : vector<1024x256xf32> to vector<1024x128xf32>
    %swap3A_32 = arith.constant 0 : index
    %swap3A_33 = arith.constant 0 : index
    %swap3A_34 = vector.load %arg8[%swap3A_32, %swap3A_33] : memref<1024x128xf32, #tpu.memory_space<vmem>>, vector<1024x128xf32>
    tpu.vector_store %arg8[%swap3A_32, %swap3A_33], %slice3A_31 {strides = array<i32>} : memref<1024x128xf32, #tpu.memory_space<vmem>>, vector<1024x128xf32>,
    %swap3A_35 = arith.constant 0 : index
    %swap3A_36 = vector.load %arg9[%swap3A_35] : memref<1024xf32, #tpu.memory_space<vmem>>, vector<1024xf32>
    tpu.vector_store %arg9[%swap3A_35], %rsqrt3A {strides = array<i32>} : memref<1024xf32, #tpu.memory_space<vmem>>, vector<1024xf32>,
    return
  }
  func.func @transform_0(%arg0: i32) -> (i32, i32) {
    %c0_i32 = arith.constant 0 : i32
    %c0_i32_0 = arith.constant 0 : i32
    return %arg0, %c0_i32 : i32, i32
  }
  func.func @transform_1(%arg0: i32) -> (i32, i32) {
    %c0_i32 = arith.constant 0 : i32
    %c0_i32_0 = arith.constant 0 : i32
    return %arg0, %c0_i32 : i32, i32
  }
  func.func @transform_2(%arg0: i32) -> (i32, i32) {
    %c0_i32 = arith.constant 0 : i32
    %c0_i32_0 = arith.constant 0 : i32
    return %arg0, %c0_i32 : i32, i32
  }
  func.func @transform_3(%arg0: i32) -> (i32, i32) {
    %c0_i32 = arith.constant 0 : i32
    %c0_i32_0 = arith.constant 0 : i32
    return %arg0, %c0_i32 : i32, i32
  }
  func.func @transform_4(%arg0: i32) -> (i32, i32) {
    %c0_i32 = arith.constant 0 : i32
    %c0_i32_0 = arith.constant 0 : i32
    return %arg0, %c0_i32 : i32, i32
  }
  func.func @transform_5(%arg0: i32) -> (i32, i32) {
    %c0_i32 = arith.constant 0 : i32
    %c0_i32_0 = arith.constant 0 : i32
    return %arg0, %c0_i32 : i32, i32
  }
  func.func @transform_6(%arg0: i32) -> (i32, i32) {
    %c0_i32 = arith.constant 0 : i32
    %c0_i32_0 = arith.constant 0 : i32
    return %arg0, %c0_i32 : i32, i32
  }
  func.func @transform_7(%arg0: i32) -> (i32, i32) {
    %c0_i32 = arith.constant 0 : i32
    %c0_i32_0 = arith.constant 0 : i32
    return %arg0, %c0_i32 : i32, i32
  }
  func.func @transform_8(%arg0: i32) -> i32 {
    %c0_i32 = arith.constant 0 : i32
    return %arg0 : i32
  }
}

module attributes {stable_mosaic.version = 14 : i64} {
  func.func @_final_body(%arg0: i32, %arg1: memref<1024x128xf32, #tpu.memory_space<vmem>>, %arg2: memref<1024x128xf32, #tpu.memory_space<vmem>>, %arg3: memref<1024x128xf32, #tpu.memory_space<vmem>>, %arg4: memref<1024x128xf32, #tpu.memory_space<vmem>>, %arg5: memref<1024xf32, #tpu.memory_space<vmem>>, %arg6: memref<1024x256xf32, #tpu.memory_space<vmem>>, %arg7: memref<1024xf32, #tpu.memory_space<vmem>>, %arg8: memref<256xf32, #tpu.memory_space<vmem>>, %arg9: memref<256x256xf32, #tpu.memory_space<vmem>>, %arg10: memref<256xf32, #tpu.memory_space<vmem>>, %arg11: memref<1024xf32, #tpu.memory_space<vmem>>, %arg12: memref<1024xf32, #tpu.memory_space<vmem>>) attributes {dimension_semantics = [#tpu.dimension_semantics<arbitrary>], iteration_bounds = array<i64: 10>, scalar_prefetch = 0 : i64, scratch_operands = 0 : i64, tpu.core_type = #tpu.core_type<tc>, window_params = [{transform_indices = @transform_0, window_bounds = array<i64: 1024, 128>}, {transform_indices = @transform_1, window_bounds = array<i64: 1024, 128>}, {transform_indices = @transform_2, window_bounds = array<i64: 1024, 128>}, {transform_indices = @transform_3, window_bounds = array<i64: 1024, 128>}, {transform_indices = @transform_4, window_bounds = array<i64: 1024>}, {transform_indices = @transform_5, window_bounds = array<i64: 1024, 256>}, {transform_indices = @transform_6, window_bounds = array<i64: 1024>}, {pipeline_mode = #tpu.pipeline_mode<synchronous>, transform_indices = @transform_7, window_bounds = array<i64: 256>}, {pipeline_mode = #tpu.pipeline_mode<synchronous>, transform_indices = @transform_8, window_bounds = array<i64: 256, 256>}, {pipeline_mode = #tpu.pipeline_mode<synchronous>, transform_indices = @transform_9, window_bounds = array<i64: 256>}, {transform_indices = @transform_10, window_bounds = array<i64: 1024>}, {transform_indices = @transform_11, window_bounds = array<i64: 1024>}]} {
    %get3A = arith.constant 0 : index
    %get3A_0 = vector.load %arg5[%get3A] : memref<1024xf32, #tpu.memory_space<vmem>>, vector<1024xf32>
    %get3A_1 = arith.constant 0 : index
    %get3A_2 = arith.constant 0 : index
    %get3A_3 = vector.load %arg9[%get3A_1, %get3A_2] : memref<256x256xf32, #tpu.memory_space<vmem>>, vector<256x256xf32>
    %reduce_sum3A = arith.constant dense<0.000000e+00> : vector<256xf32>
    %reduce_sum3A_4 = vector.multi_reduction <add>, %get3A_3, %reduce_sum3A [1] : vector<256x256xf32> to vector<256xf32>
    %get3A_5 = arith.constant 0 : index
    %get3A_6 = vector.load %arg10[%get3A_5] : memref<256xf32, #tpu.memory_space<vmem>>, vector<256xf32>
    %reduce_sum3A_7 = vector.shape_cast %get3A_6 : vector<256xf32> to vector<1x256xf32>
    %reduce_sum3A_8 = arith.constant dense<0.000000e+00> : vector<1xf32>
    %reduce_sum3A_9 = vector.multi_reduction <add>, %reduce_sum3A_7, %reduce_sum3A_8 [1] : vector<1x256xf32> to vector<1xf32>
    %reduce_sum3A_10 = vector.shape_cast %reduce_sum3A_9 : vector<1xf32> to vector<1x1xf32>
    %reduce_sum3A_11 = vector.extract %reduce_sum3A_10[0, 0] : f32 from vector<1x1xf32>
    %get3A_12 = arith.constant 0 : index
    %get3A_13 = vector.load %arg8[%get3A_12] : memref<256xf32, #tpu.memory_space<vmem>>, vector<256xf32>
    %get3A_14 = arith.constant 0 : index
    %get3A_15 = arith.constant 0 : index
    %get3A_16 = vector.load %arg1[%get3A_14, %get3A_15] : memref<1024x128xf32, #tpu.memory_space<vmem>>, vector<1024x128xf32>
    %get3A_17 = arith.constant 0 : index
    %get3A_18 = arith.constant 0 : index
    %get3A_19 = vector.load %arg2[%get3A_17, %get3A_18] : memref<1024x128xf32, #tpu.memory_space<vmem>>, vector<1024x128xf32>
    %concatenate3A = tpu.concatenate %get3A_16, %get3A_19 in 1 : vector<1024x128xf32>, vector<1024x128xf32> -> vector<1024x256xf32>
    %broadcast_in_dim3A = vector.shape_cast %get3A_0 : vector<1024xf32> to vector<1024x1xf32>
    %mul3A = vector.broadcast %broadcast_in_dim3A : vector<1024x1xf32> to vector<1024x256xf32>
    %mul3A_20 = arith.mulf %concatenate3A, %mul3A : vector<1024x256xf32>
    %broadcast_in_dim3A_21 = vector.shape_cast %get3A_13 : vector<256xf32> to vector<1x256xf32>
    %add3A = vector.broadcast %broadcast_in_dim3A_21 : vector<1x256xf32> to vector<1024x256xf32>
    %add3A_22 = arith.addf %mul3A_20, %add3A : vector<1024x256xf32>
    %max3A = arith.constant 0.000000e+00 : f32
    %max3A_23 = vector.broadcast %max3A : f32 to vector<1024x256xf32>
    %max3A_24 = arith.maximumf %add3A_22, %max3A_23 : vector<1024x256xf32>
    %get3A_25 = arith.constant 0 : index
    %get3A_26 = arith.constant 0 : index
    %get3A_27 = vector.load %arg3[%get3A_25, %get3A_26] : memref<1024x128xf32, #tpu.memory_space<vmem>>, vector<1024x128xf32>
    %get3A_28 = arith.constant 0 : index
    %get3A_29 = arith.constant 0 : index
    %get3A_30 = vector.load %arg4[%get3A_28, %get3A_29] : memref<1024x128xf32, #tpu.memory_space<vmem>>, vector<1024x128xf32>
    %concatenate3A_31 = tpu.concatenate %get3A_27, %get3A_30 in 1 : vector<1024x128xf32>, vector<1024x128xf32> -> vector<1024x256xf32>
    %broadcast_in_dim3A_32 = vector.shape_cast %get3A_0 : vector<1024xf32> to vector<1024x1xf32>
    %mul3A_33 = vector.broadcast %broadcast_in_dim3A_32 : vector<1024x1xf32> to vector<1024x256xf32>
    %mul3A_34 = arith.mulf %concatenate3A_31, %mul3A_33 : vector<1024x256xf32>
    %broadcast_in_dim3A_35 = vector.shape_cast %get3A_13 : vector<256xf32> to vector<1x256xf32>
    %add3A_36 = vector.broadcast %broadcast_in_dim3A_35 : vector<1x256xf32> to vector<1024x256xf32>
    %add3A_37 = arith.addf %mul3A_34, %add3A_36 : vector<1024x256xf32>
    %max3A_38 = arith.constant 0.000000e+00 : f32
    %max3A_39 = vector.broadcast %max3A_38 : f32 to vector<1024x256xf32>
    %max3A_40 = arith.maximumf %add3A_37, %max3A_39 : vector<1024x256xf32>
    %get3A_41 = arith.constant 0 : index
    %get3A_42 = vector.load %arg7[%get3A_41] : memref<1024xf32, #tpu.memory_space<vmem>>, vector<1024xf32>
    %broadcast_in_dim3A_43 = vector.shape_cast %get3A_42 : vector<1024xf32> to vector<1024x1xf32>
    %gt3A = arith.constant 0.000000e+00 : f32
    %gt3A_44 = vector.broadcast %gt3A : f32 to vector<1024x1xf32>
    %gt3A_45 = arith.cmpf ogt, %broadcast_in_dim3A_43, %gt3A_44 : vector<1024x1xf32>
    %get3A_46 = arith.constant 0 : index
    %get3A_47 = arith.constant 0 : index
    %get3A_48 = vector.load %arg6[%get3A_46, %get3A_47] : memref<1024x256xf32, #tpu.memory_space<vmem>>, vector<1024x256xf32>
    %broadcast_in_dim3A_49 = vector.shape_cast %gt3A_45 : vector<1024x1xi1> to vector<1024x1xi1>
    %broadcast_in_dim3A_50 = vector.broadcast %broadcast_in_dim3A_49 : vector<1024x1xi1> to vector<1024x256xi1>
    %select_n3A = arith.select %broadcast_in_dim3A_50, %get3A_48, %max3A_40 : vector<1024x256xi1>, vector<1024x256xf32>
    %broadcast_in_dim3A_51 = vector.shape_cast %reduce_sum3A_4 : vector<256xf32> to vector<1x256xf32>
    %mul3A_52 = vector.broadcast %broadcast_in_dim3A_51 : vector<1x256xf32> to vector<1024x256xf32>
    %mul3A_53 = arith.mulf %max3A_24, %mul3A_52 : vector<1024x256xf32>
    %reduce_sum3A_54 = arith.constant dense<0.000000e+00> : vector<1024xf32>
    %reduce_sum3A_55 = vector.multi_reduction <add>, %mul3A_53, %reduce_sum3A_54 [1] : vector<1024x256xf32> to vector<1024xf32>
    %add3A_56 = vector.broadcast %reduce_sum3A_11 : f32 to vector<1024xf32>
    %add3A_57 = arith.addf %reduce_sum3A_55, %add3A_56 : vector<1024xf32>
    %swap3A = arith.constant 0 : index
    %swap3A_58 = vector.load %arg11[%swap3A] : memref<1024xf32, #tpu.memory_space<vmem>>, vector<1024xf32>
    tpu.vector_store %arg11[%swap3A], %add3A_57 {strides = array<i32>} : memref<1024xf32, #tpu.memory_space<vmem>>, vector<1024xf32>,
    %broadcast_in_dim3A_59 = vector.shape_cast %reduce_sum3A_4 : vector<256xf32> to vector<1x256xf32>
    %mul3A_60 = vector.broadcast %broadcast_in_dim3A_59 : vector<1x256xf32> to vector<1024x256xf32>
    %mul3A_61 = arith.mulf %select_n3A, %mul3A_60 : vector<1024x256xf32>
    %reduce_sum3A_62 = arith.constant dense<0.000000e+00> : vector<1024xf32>
    %reduce_sum3A_63 = vector.multi_reduction <add>, %mul3A_61, %reduce_sum3A_62 [1] : vector<1024x256xf32> to vector<1024xf32>
    %add3A_64 = vector.broadcast %reduce_sum3A_11 : f32 to vector<1024xf32>
    %add3A_65 = arith.addf %reduce_sum3A_63, %add3A_64 : vector<1024xf32>
    %swap3A_66 = arith.constant 0 : index
    %swap3A_67 = vector.load %arg12[%swap3A_66] : memref<1024xf32, #tpu.memory_space<vmem>>, vector<1024xf32>
    tpu.vector_store %arg12[%swap3A_66], %add3A_65 {strides = array<i32>} : memref<1024xf32, #tpu.memory_space<vmem>>, vector<1024xf32>,
    return
  }
  func.func @transform_0(%arg0: i32) -> (i32, i32) {
    %c0_i32 = arith.constant 0 : i32
    %c0_i32_0 = arith.constant 0 : i32
    return %arg0, %c0_i32 : i32, i32
  }
  func.func @transform_1(%arg0: i32) -> (i32, i32) {
    %c0_i32 = arith.constant 0 : i32
    %c0_i32_0 = arith.constant 0 : i32
    return %arg0, %c0_i32 : i32, i32
  }
  func.func @transform_2(%arg0: i32) -> (i32, i32) {
    %c0_i32 = arith.constant 0 : i32
    %c0_i32_0 = arith.constant 0 : i32
    return %arg0, %c0_i32 : i32, i32
  }
  func.func @transform_3(%arg0: i32) -> (i32, i32) {
    %c0_i32 = arith.constant 0 : i32
    %c0_i32_0 = arith.constant 0 : i32
    return %arg0, %c0_i32 : i32, i32
  }
  func.func @transform_4(%arg0: i32) -> i32 {
    %c0_i32 = arith.constant 0 : i32
    return %arg0 : i32
  }
  func.func @transform_5(%arg0: i32) -> (i32, i32) {
    %c0_i32 = arith.constant 0 : i32
    %c0_i32_0 = arith.constant 0 : i32
    return %arg0, %c0_i32 : i32, i32
  }
  func.func @transform_6(%arg0: i32) -> i32 {
    %c0_i32 = arith.constant 0 : i32
    return %arg0 : i32
  }
  func.func @transform_7(%arg0: i32) -> i32 {
    %c0_i32 = arith.constant 0 : i32
    %c0_i32_0 = arith.constant 0 : i32
    return %c0_i32 : i32
  }
  func.func @transform_8(%arg0: i32) -> (i32, i32) {
    %c0_i32 = arith.constant 0 : i32
    %c0_i32_0 = arith.constant 0 : i32
    %c0_i32_1 = arith.constant 0 : i32
    return %c0_i32, %c0_i32_0 : i32, i32
  }
  func.func @transform_9(%arg0: i32) -> i32 {
    %c0_i32 = arith.constant 0 : i32
    %c0_i32_0 = arith.constant 0 : i32
    return %c0_i32 : i32
  }
  func.func @transform_10(%arg0: i32) -> i32 {
    %c0_i32 = arith.constant 0 : i32
    return %arg0 : i32
  }
  func.func @transform_11(%arg0: i32) -> i32 {
    %c0_i32 = arith.constant 0 : i32
    return %arg0 : i32
  }
}

</mosaic_0001>

<sc_bundles>
// kernel: kernel.10.cloned.1.call-start
scs
__scs_entry_jumppad:
0x0: {  	(pc) =	sbr.rel $0x88, $3  }
0x1: {  	(tag) =	ssettag $0x0;
	lr =	simm.s32 $0x1  }
0x2: {  	[smem:$0x3F99] =	sst lr;
	_ =	strace $0xD0000000  }
0x3: {  	_ = 	snop  }
0x4: {  	_ = 	snop  }
0x5: {  	_ = 	snop  }
0x6: {  	_ = 	snop  }
0x7: {  	_ = 	snop  }
__scs_overlays_trampoline_lowered:
0x8: {  	[smem:$0x3FA8] =	sst s0  }
0x9: {  	[smem:$0x3FA9] =	sst s1  }
0xa: {  	[smem:$0x3FAA] =	sst s2  }
0xb: {  	[smem:$0x3FAB] =	sst s3  }
0xc: {  	[smem:$0x3FAC] =	sst s4  }
0xd: {  	[smem:$0x3FAD] =	sst s5  }
0xe: {  	[smem:$0x3FAE] =	sst s6  }
0xf: {  	[smem:$0x3FAF] =	sst s7  }
0x10: {  	[smem:$0x3FB0] =	sst s8  }
0x11: {  	[smem:$0x3FB1] =	sst s9;
	s0 =	simm.s32 @!p0 $0x0  }
0x12: {  	s1 =	sld [smem:$0x3F97];
	s0 =	simm.s32 @p0 $0x1  }
0x13: {  	[smem:$0x3FB2] =	sst s0;
	s0 =	simm.s32 @!p1 $0x0  }
0x14: {  	s2 =	sld [smem:$0x3F96];
	s0 =	simm.s32 @p1 $0x1  }
0x15: {  	[smem:$0x3FB3] =	sst s0;
	s0 =	simm.s32 @!p2 $0x0  }
0x16: {  	s3 =	sld [smem:$0x3FDB];
	s0 =	simm.s32 @p2 $0x1  }
0x17: {  	s4 =	simm.s32 $0x1BF5;
	[smem:$0x3FB5] =	sst s0  }
0x18: {  	s0 =	sld [smem:$0x3F98];
	_ =	swait.ge [sflag:s4], $0x0  }
0x19: {  	s7 =	sld [smem:$0x3F99]  }
0x1a: {  	s8 =	sadd.s32 $0xFFFFE003, lr  }
0x1b: {  	s9 =	sadd.s32 $0xFFFFFEF7, lr;
	s5 =	simm.s32 $0xFFFFFFFF;
	p2 =	slt.u32 s8, $0xFFFFF086  }
0x1c: {  	p1 =	slt.u32 s9, $0xF7A;
	s5 =	simm.s32 @!p2 $0x0  }
0x1d: {  	s5 =	simm.s32 @p1 $0x1;
	p0 =	seq.s32 s7, s2  }
0x1e: {  	s7 =	smul.u32 @!p0 $0xF7A, s2;
	p2 =	seq.s32 @!p0 s5, $0x0  }
0x1f: {  	s9 =	smul.u32 $0xF7A, s1;
	s8 =	simm.s32 @!p0 $0x1BF5;
	p2 =	por !p2, p0  }
0x20: {  	[sflag:s8] =	ssyncset.s32 @!p0 $0xFFFFF086;
	s6 =	sadd.s32 @!p0 s3, s7;
	s7 =	simm.s32 @!p0 $0x108  }
0x21: {  	s3 =	sadd.s32 s3, s9;
	s6 =	sadd.s32 @!p0 $0x88, s6;
	s7 =	simm.s32 @p2 $0x1082  }
0x22: {  	[simem:s7], [sflag:s8] =	dma.local @!p0 [hbm:s6], $0xF7A  }
0x23: {  	s9 =	sor.u32 $0xD0000000, s2;
	s6 =	simm.s32 $0x108;
	_ =	swait.ge @!p0 [sflag:s8], $0x0  }
0x24: {  	s3 =	sadd.s32 $0x88, s3;
	s6 =	simm.s32 @!p1 $0x1082;
	[sflag:s4] =	ssyncset.s32 $0xFFFFF086  }
0x25: {  	[simem:s6], [sflag:s4] =	dma.local [hbm:s3], $0xF7A  }
0x26: {  	[smem:$0x3F99] =	sst s1;
	(tag) =	ssettag s2;
	_ =	strace s9  }
0x27: {  	s1 =	sld [smem:$0x3FA9]  }
0x28: {  	s2 =	sld [smem:$0x3FAA]  }
0x29: {  	s4 =	sld [smem:$0x3FAC]  }
0x2a: {  	p0 =	seq.s32 s5, $0x0;
	s5 =	sld [smem:$0x3FAD]  }
0x2b: {  	s6 =	sld [smem:$0x3FAE]  }
0x2c: {  	s7 =	sld [smem:$0x3FAF]  }
0x2d: {  	s3 =	simm.s32 $0x108;
	s8 =	sld [smem:$0x3FB0]  }
0x2e: {  	s3 =	simm.s32 @!p0 $0x1082;
	s9 =	sld [smem:$0x3FB1]  }
0x2f: {  	lr =	sadd.s32 s0, s3;
	s0 =	sld [smem:$0x3FA8]  }
0x30: {  	s3 =	sld [smem:$0x3FAB]  }
0x31: {  	[smem:$0x3FB4] =	sst s10  }
0x32: {  	s10 =	sld [smem:$0x3FB2];
	_ =	sdelay $0x3  }
0x33: {  	p0 =	seq.s32 s10, $0x1;
	s10 =	sld [smem:$0x3FB4];
	_ =	sdelay $0x3  }
0x34: {  	[smem:$0x3FB4] =	sst s10  }
0x35: {  	s10 =	sld [smem:$0x3FB3];
	_ =	sdelay $0x3  }
0x36: {  	p1 =	seq.s32 s10, $0x1;
	s10 =	sld [smem:$0x3FB4];
	_ =	sdelay $0x3  }
0x37: {  	[smem:$0x3FB4] =	sst s10  }
0x38: {  	s10 =	sld [smem:$0x3FB5]  }
0x39: {  	_ = 	snop;
	(pc) =	sbr.ind lr, $3  }
0x3a: {  	_ = 	snop  }
0x3b: {  	_ = 	snop  }
0x3c: {  	p2 =	seq.s32 s10, $0x1;
	s10 =	sld [smem:$0x3FB4]  }
0x3d: {  	_ =	shalt  }
0x3e: {  	_ =	shalt  }
0x3f: {  	_ =	shalt  }
0x40: {  	_ =	shalt  }
0x41: {  	_ =	shalt  }
0x42: {  	_ =	shalt  }
0x43: {  	_ =	shalt  }
0x44: {  	_ =	shalt  }
0x45: {  	_ =	shalt  }
0x46: {  	_ =	shalt  }
0x47: {  	_ =	shalt  }
0x48: {  	_ =	shalt  }
0x49: {  	_ =	shalt  }
0x4a: {  	_ =	shalt  }
0x4b: {  	_ =	shalt  }
0x4c: {  	_ =	shalt  }
0x4d: {  	_ =	shalt  }
0x4e: {  	_ =	shalt  }
0x4f: {  	_ =	shalt  }
0x50: {  	_ =	shalt  }
0x51: {  	_ =	shalt  }
0x52: {  	_ =	shalt  }
0x53: {  	_ =	shalt  }
0x54: {  	_ =	shalt  }
0x55: {  	_ =	shalt  }
0x56: {  	_ =	shalt  }
0x57: {  	_ =	shalt  }
0x58: {  	_ =	shalt  }
0x59: {  	_ =	shalt  }
0x5a: {  	_ =	shalt  }
0x5b: {  	_ =	shalt  }
0x5c: {  	_ =	shalt  }
0x5d: {  	_ =	shalt  }
0x5e: {  	_ =	shalt  }
0x5f: {  	_ =	shalt  }
0x60: {  	_ =	shalt  }
0x61: {  	_ =	shalt  }
0x62: {  	_ =	shalt  }
0x63: {  	_ =	shalt  }
0x64: {  	_ =	shalt  }
0x65: {  	_ =	shalt  }
0x66: {  	_ =	shalt  }
0x67: {  	_ =	shalt  }
0x68: {  	_ =	shalt  }
0x69: {  	_ =	shalt  }
0x6a: {  	_ =	shalt  }
0x6b: {  	_ =	shalt  }
0x6c: {  	_ =	shalt  }
0x6d: {  	_ =	shalt  }
0x6e: {  	_ =	shalt  }
0x6f: {  	_ =	shalt  }
0x70: {  	_ =	shalt  }
0x71: {  	_ =	shalt  }
0x72: {  	_ =	shalt  }
0x73: {  	_ =	shalt  }
0x74: {  	_ =	shalt  }
0x75: {  	_ =	shalt  }
0x76: {  	_ =	shalt  }
0x77: {  	_ =	shalt  }
0x78: {  	_ =	shalt  }
0x79: {  	_ =	shalt  }
0x7a: {  	_ =	shalt  }
0x7b: {  	_ =	shalt  }
0x7c: {  	_ =	shalt  }
0x7d: {  	_ =	shalt  }
0x7e: {  	_ =	shalt  }
0x7f: {  	_ =	shalt  }
0x80: {  	_ =	shalt  }
0x81: {  	_ =	shalt  }
0x82: {  	_ =	shalt  }
0x83: {  	_ =	shalt  }
0x84: {  	_ =	shalt  }
0x85: {  	_ =	shalt  }
0x86: {  	_ =	shalt  }
0x87: {  	_ =	shalt  }
.Lfunc_end0:
.L_simem_size_0:
called_computation.1_lowered:
.L_overlay_start_0:
0x88: {  	s2 =	sld [smem:$0x3FD9]  }
0x89: {  	s3 =	sld [smem:$0x3FFE];
	_ =	sdelay $0x1  }
0x8a: {  	s1 =	srdreg.scid  }
0x8b: {  	s0 =	sand.u32 $0x1, s1  }
0x8c: {  	s16 =	sshll.u32 s0, $0xA;
	s2 =	sadd.s32 s3, s2  }
0x8d: {  	s2 =	sadd.s32 s2, s16  }
0x8e: {  	[smem:$0x3FC0] =	sst s2  }
0x8f: {  	_ = 	snop  }
0x90: {  	(tm) =	ssettm $0x1  }
0x91: {  	s17 =	sld [smem:$0x3FFB];
	_ =	sdelay $0x3  }
0x92: {  	_ =	strace s17  }
0x93: {  	s2 =	sld [smem:$0x3FFC];
	_ =	sdelay $0x3  }
0x94: {  	_ =	strace s2  }
0x95: {  	s2 =	sld [smem:$0x3FFD];
	_ =	sdelay $0x3  }
0x96: {  	_ =	strace s2  }
0x97: {  	_ =	strace $0x8FFFFFFF  }
0x98: {  	s18 =	sld [smem:$0x3FDB];
	_ =	sdelay $0x1  }
0x99: {  	s19 =	simm.s32 $_scs_section_size  }
0x9a: {  	s4 =	simm.s32 $_size__tile_overlayer_lowered;
	s5 =	simm.s32 $_tile_overlayer_lowered  }
0x9b: {  	s22 =	simm.s32 $0x1BFF;
	s21 =	sshll.u32 s5, $0x1;
	s2 =	sadd.s32 s19, s18  }
0x9c: {  	s6 =	simm.s32 $0x0;
	s20 =	sshll.u32 s4, $0x1;
	s4 =	sadd.s32 s21, s2  }
0x9d: {  	[timem:s6], [sflag:s22] =	dma.local [hbm:s4], s20  }
0x9e: {  	_ =	swait.ge [sflag:s22], s20  }
0x9f: {  	s3 =	ssub.s32 $0x0, s20;
	[sflag:s22] =	ssyncset.done $0x0  }
0xa0: {  	[sflag:s22] =	ssyncadd.s32 s3;
	_ =	sdelay $0x1  }
0xa1: {  	s23 =	simm.s32 $0x1B8B  }
0xa2: {  	_ =	swait.ge [sflag:s23], $0x1  }
0xa3: {  	[sflag:s23] =	ssyncset.done $0x0  }
0xa4: {  	s25 =	simm.s32 $0x1B8E;
	s24 =	sld [smem:$0x3FFE];
	[sflag:s23] =	ssyncadd.s32 $0xFFFFFFFF  }
0xa5: {  	s26 =	simm.s32 $execute0_lowered;
	[smem:$0x3FD2] =	sst s25  }
0xa6: {  	s4 =	sshll.u32 s26, $0x1;
	_ =	strace $0x80000049;
	[dreg:$0x1] =	wrdreg $0xFFFFFFFF  }
0xa7: {  	s28 =	simm.s32 $_size_execute0_lowered;
	s2 =	sadd.s32 s2, s4;
	[dreg:$0x0] =	wrdreg $0x0  }
0xa8: {  	s4 =	sshll.u32 s28, $0x1;
	[dreg:$0x2] =	wrdreg s2  }
0xa9: {  	[dreg:$0x3] =	wrdreg s4  }
0xaa: {  	[dreg:$0x4] =	wrdreg $0xC0  }
0xab: {  	_ =	task [dreg:s6], $0x5FFFF  }
0xac: {  	[dreg:$0x1] =	wrdreg $0xFFFFFFFF  }
0xad: {  	[dreg:$0x0] =	wrdreg $0x60  }
0xae: {  	[dreg:$0x2] =	wrdreg s24  }
0xaf: {  	[dreg:$0x3] =	wrdreg $0x90000  }
0xb0: {  	[dreg:$0x4] =	wrdreg $0x9  }
0xb1: {  	_ =	task.clear_ibuf [dreg:s6], $0x5FFFF;
	_ =	strace $0x90000049  }
0xb2: {  	s29 =	simm.s32 $0x9;
	_ =	strace $0x8000004B  }
0xb3: {  	_ =	swait.ge [sflag:s29], $0x1  }
0xb4: {  	[sflag:s29] =	ssyncadd.s32 $0xFFFFFFFF  }
0xb5: {  	_ =	strace $0x9000004B  }
0xb6: {  	_ =	sfence  }
0xb7: {  	s30 =	sld [smem:$0x0];
	_ =	sdelay $0x2  }
0xb8: {  	s31 =	sshll.u32 s1, $0xD;
	s1 =	sshrl.u32 s1, $0x2  }
0xb9: {  	s3 =	sand.u32 $0x4000, s31;
	s1 =	sadd.s32 s1, s30  }
0xba: {  	s0 =	sor.u32 s3, s0;
	s1 =	sshll.u32 s1, $0x11  }
0xbb: {  	s0 =	sor.u32 s1, s0  }
0xbc: {  	s0 =	sadd.s32 $0x8F2B, s0  }
0xbd: {  	[sflag:s0] =	ssyncadd.remote.s32 $0x1  }
0xbe: {  	_ =	sfence.sel $0xFFFF  }
0xbf: {  	[dreg:$0x0] =	wrdreg $0xFFFFFFFF;
	(pc) =	sbr.abs _section_cstart, $3  }
0xc0: {  	[dreg:$0x1] =	wrdreg $0xFFFFFFFF  }
0xc1: {  	_ =	task.clear_ibuf [dreg:s6], $0x2FFFF;
	_ =	strace $0x9FFFFFFF  }
0xc2: {  	(tm) =	ssettm $0x7FFFFFFF  }
0xc3: {  	_ =	shalt  }
tec
execute0_lowered:
.L_overlay_start_1:
0x0: {  	(tag) =	ssettag $0x1  }
0x1: {  	s0 =	rddreg [dreg:$0x0]  }
0x2: {  	s1 =	rddreg [dreg:$0x1]  }
0x3: {  	s3 =	simm.s32 $0x0;
	s14 =	stileid.u32;
	s8 =	srdreg.scid  }
0x4: {  	[smem:$0x7FF] =	sst s3;
	s4 =	sadd.s32 $0x4200, s0;
	s5 =	sadd.s32 $0x2C200, s0  }
0x5: {  	s2 =	smul.u32 $0x500, s14;
	s6 =	sadd.s32 $0x54200, s0;
	s7 =	sadd.s32 $0x7C200, s0  }
0x6: {  	s8 =	sand.u32 $0x1, s8;
	s9 =	sadd.s32 $0xA4200, s0;
	s13 =	smul.u32 $0x50000, s14  }
0x7: {  	s11 =	sadd.s32 $0xCC200, s0;
	s23 =	sadd.s32 $0x103200, s0;
	s26 =	smul.u32 $0x280, s14  }
0x8: {  	_ =	strace $0x8000004A;
	s10 =	ssub.s32 $0x2, s8;
	[dreg:$0x3] =	wrdreg s11  }
0x9: {  	p0 =	seq.s32 s8, $0x1;
	s2 =	sadd.s32 s2, s0;
	s24 =	sshrl.u32 s10, $0x1  }
0xa: {  	s0 =	sadd.s32 $0x12B200, s0;
	s19 =	sshrl.u32 s13, $0x2;
	s13 =	smul.u32 $0x2800, s14  }
0xb: {  	s20 =	sadd.s32 $0x80, s26;
	s21 =	sadd.s32 $0x100, s26;
	[dreg:$0x4] =	wrdreg s0  }
0xc: {  	s25 =	ssub.s32 s10, s24;
	s10 =	sadd.s32 $0xFE200, s2;
	s11 =	sadd.s32 $0xF9200, s2  }
0xd: {  	s14 =	sadd.s32 s19, s1;
	s15 =	sshll.u32 s20, $0x4;
	s0 =	sshll.u32 s20, $0x7  }
0xe: {  	s17 =	sshll.u32 s21, $0x4;
	s22 =	sshll.u32 s21, $0x7;
	s24 =	sadd.s32 $0x180, s26  }
0xf: {  	s2 =	sadd.s32 $0x200, s26;
	s12 =	smax.u32 s25, $0x1;
	s16 =	sadd.s32 s0, s1  }
0x10: {  	s18 =	sadd.s32 s22, s1;
	s25 =	sshll.u32 s2, $0x7;
	s26 =	sadd.s32 s9, s13  }
0x11: {  	s21 =	sshll.u32 s2, $0x4;
	s2 =	sadd.s32 s9, s15;
	[dreg:$0x5] =	wrdreg s26  }
0x12: {  	s19 =	sshll.u32 s24, $0x4;
	s8 =	sadd.s32 s9, s17;
	[dreg:$0x6] =	wrdreg s2  }
0x13: {  	s0 =	sshll.u32 s24, $0x7;
	[dreg:$0x7] =	wrdreg s8;
	s24 =	sadd.s32 s9, s19  }
0x14: {  	s22 =	sadd.s32 s25, s1;
	s25 =	sadd.s32 s9, s21;
	[dreg:$0x8] =	wrdreg s24  }
0x15: {  	s26 =	sadd.s32 s23, s13;
	[dreg:$0x9] =	wrdreg s25  }
0x16: {  	s2 =	sadd.s32 s23, s15;
	[dreg:$0xa] =	wrdreg s26  }
0x17: {  	s8 =	sadd.s32 s23, s17;
	[dreg:$0xb] =	wrdreg s2  }
0x18: {  	s9 =	sadd.s32 s23, s19;
	[dreg:$0xc] =	wrdreg s8  }
0x19: {  	s23 =	sadd.s32 s23, s21;
	[dreg:$0xd] =	wrdreg s9  }
0x1a: {  	[dreg:$0xe] =	wrdreg s23;
	s24 =	sadd.s32 s4, s13  }
0x1b: {  	s25 =	sadd.s32 s4, s15;
	[dreg:$0xf] =	wrdreg s24  }
0x1c: {  	s26 =	sadd.s32 s4, s17;
	[dreg:$0x10] =	wrdreg s25  }
0x1d: {  	s2 =	sadd.s32 s4, s19;
	[dreg:$0x11] =	wrdreg s26  }
0x1e: {  	s8 =	sadd.s32 s4, s21;
	[dreg:$0x12] =	wrdreg s2  }
0x1f: {  	s9 =	sadd.s32 s5, s13;
	[dreg:$0x13] =	wrdreg s8  }
0x20: {  	s23 =	sadd.s32 s5, s15;
	[dreg:$0x14] =	wrdreg s9  }
0x21: {  	[dreg:$0x15] =	wrdreg s23;
	s24 =	sadd.s32 s5, s17  }
0x22: {  	s25 =	sadd.s32 s5, s19;
	[dreg:$0x16] =	wrdreg s24  }
0x23: {  	s30 =	simm.s32 $0x2;
	s26 =	sadd.s32 s5, s21;
	[dreg:$0x17] =	wrdreg s25  }
0x24: {  	s31 =	simm.s32 $0x5000;
	s2 =	sadd.s32 s6, s13;
	[dreg:$0x18] =	wrdreg s26  }
0x25: {  	s20 =	sadd.s32 s0, s1;
	s8 =	sadd.s32 s6, s15;
	[dreg:$0x19] =	wrdreg s2  }
0x26: {  	s28 =	sadd.s32 s7, s19;
	s9 =	sadd.s32 s6, s17;
	[dreg:$0x1a] =	wrdreg s8  }
.Ltmp0:
0x27: {  	s23 =	sadd.s32 s6, s19;
	[dreg:$0x1b] =	wrdreg s9;
	(pc) =	sbr.rel .LBB2_1-.Ltmp0, $4  }
0x28: {  	s29 =	sadd.s32 s7, s21;
	[dreg:$0x1c] =	wrdreg s23;
	s24 =	sadd.s32 s6, s21  }
0x29: {  	s0 =	simm.s32 $0x80;
	s25 =	sadd.s32 s7, s13;
	[dreg:$0x1d] =	wrdreg s24  }
0x2a: {  	s26 =	sadd.s32 s7, s15;
	s2 =	simm.s32 $0x1;
	[dreg:$0x1e] =	wrdreg s25  }
0x2b: {  	s8 =	simm.s32 $0x0;
	[dreg:$0x1f] =	wrdreg s26;
	s26 =	sadd.s32 s7, s17  }
.LBB2_11:
0x2c: {  	s9 =	sshra.s32 s9, $0x2;
	[sflag:s30] =	ssyncadd.s32 $0xFFFFC000  }
0x2d: {  	[tilespmem:s31], [sflag:$0x1] =	stream.indirect.gather [hbm4b:s7+s0], $0x80, s9, s0, $0xb8;
	[tilespmem:$0x1D000] =	vst v63  }
0x2e: {  	_ =	swait.ge [sflag:s2], $0x4000  }
0x2f: {  	[sflag:s2] =	ssyncset.done $0x0  }
0x30: {  	s9 =	sadd.s32 $0x2800, s9;
	[sflag:s2] =	ssyncadd.s32 $0xFFFFC000  }
0x31: {  	[spmem:s1] =	stream.indirect.scatter.add.f32 [tilespmem:s31], [sflag:$0x2], $0x80, s9, s0, $0xb8;
	[tilespmem:$0x1D000] =	vst v63  }
0x32: {  	_ =	swait.ge [sflag:s30], $0x4000  }
0x33: {  	[sflag:s30] =	ssyncset.done $0x0  }
0x34: {  	s9 =	rddreg [dreg:$0x4];
	[sflag:s30] =	ssyncadd.s32 $0xFFFFC000  }
.LBB2_12:
0x35: {  	[bflag:$0x0] =	sbarrier.arrive $0xFFFF  }
0x36: {  	[tilespmem:s31], [sflag:$0x2] =	stream.linear.gather [spmem:s14], $0x4000, $0x38;
	[tilespmem:$0x1D000] =	vst v63  }
0x37: {  	_ =	swait.ge [sflag:s30], $0x4000  }
0x38: {  	[sflag:s30] =	ssyncset.done $0x0  }
0x39: {  	s23 =	sadd.s32 s9, s13;
	[sflag:s30] =	ssyncadd.s32 $0xFFFFC000  }
0x3a: {  	[hbm4b:s23+s3] =	stream.linear.scatter [tilespmem:s31], [sflag:$0x2], $0x4000, $0x38;
	[tilespmem:$0x1D000] =	vst v63  }
0x3b: {  	_ =	swait.ge [sflag:s30], $0x4000  }
0x3c: {  	[sflag:s30] =	ssyncset.done $0x0  }
0x3d: {  	[sflag:s30] =	ssyncadd.s32 $0xFFFFC000  }
0x3e: {  	[tilespmem:s31], [sflag:$0x2] =	stream.linear.gather [spmem:s16], $0x4000, $0x38;
	[tilespmem:$0x1D000] =	vst v63  }
0x3f: {  	_ =	swait.ge [sflag:s30], $0x4000  }
0x40: {  	[sflag:s30] =	ssyncset.done $0x0  }
0x41: {  	s24 =	sadd.s32 s9, s15;
	[sflag:s30] =	ssyncadd.s32 $0xFFFFC000  }
0x42: {  	[hbm4b:s24+s3] =	stream.linear.scatter [tilespmem:s31], [sflag:$0x2], $0x4000, $0x38;
	[tilespmem:$0x1D000] =	vst v63  }
0x43: {  	_ =	swait.ge [sflag:s30], $0x4000  }
0x44: {  	[sflag:s30] =	ssyncset.done $0x0  }
0x45: {  	[sflag:s30] =	ssyncadd.s32 $0xFFFFC000  }
0x46: {  	[tilespmem:s31], [sflag:$0x2] =	stream.linear.gather [spmem:s18], $0x4000, $0x38;
	[tilespmem:$0x1D000] =	vst v63  }
0x47: {  	_ =	swait.ge [sflag:s30], $0x4000  }
0x48: {  	[sflag:s30] =	ssyncset.done $0x0  }
0x49: {  	s25 =	sadd.s32 s9, s17;
	[sflag:s30] =	ssyncadd.s32 $0xFFFFC000  }
0x4a: {  	[hbm4b:s25+s3] =	stream.linear.scatter [tilespmem:s31], [sflag:$0x2], $0x4000, $0x38;
	[tilespmem:$0x1D000] =	vst v63  }
0x4b: {  	_ =	swait.ge [sflag:s30], $0x4000  }
0x4c: {  	[sflag:s30] =	ssyncset.done $0x0  }
0x4d: {  	[sflag:s30] =	ssyncadd.s32 $0xFFFFC000  }
0x4e: {  	[tilespmem:s31], [sflag:$0x2] =	stream.linear.gather [spmem:s20], $0x4000, $0x38;
	[tilespmem:$0x1D000] =	vst v63  }
0x4f: {  	_ =	swait.ge [sflag:s30], $0x4000  }
0x50: {  	[sflag:s30] =	ssyncset.done $0x0  }
0x51: {  	s24 =	sadd.s32 s9, s19;
	[sflag:s30] =	ssyncadd.s32 $0xFFFFC000  }
0x52: {  	[hbm4b:s24+s3] =	stream.linear.scatter [tilespmem:s31], [sflag:$0x2], $0x4000, $0x38;
	[tilespmem:$0x1D000] =	vst v63  }
0x53: {  	_ =	swait.ge [sflag:s30], $0x4000  }
0x54: {  	[sflag:s30] =	ssyncset.done $0x0  }
0x55: {  	[sflag:s30] =	ssyncadd.s32 $0xFFFFC000  }
0x56: {  	[tilespmem:s31], [sflag:$0x2] =	stream.linear.gather [spmem:s22], $0x4000, $0x38;
	[tilespmem:$0x1D000] =	vst v63  }
0x57: {  	s8 =	sadd.s32 $0x1, s8;
	_ =	swait.ge [sflag:s30], $0x4000  }
0x58: {  	p1 =	sne.s32 s8, s12;
	[sflag:s30] =	ssyncset.done $0x0  }
.Ltmp1:
0x59: {  	s25 =	sadd.s32 s9, s21;
	[sflag:s30] =	ssyncadd.s32 $0xFFFFC000;
	(pc) =	sbr.rel @!p1 .LBB2_13-.Ltmp1, $4  }
0x5a: {  	[hbm4b:s25+s3] =	stream.linear.scatter [tilespmem:s31], [sflag:$0x2], $0x4000, $0x38;
	[tilespmem:$0x1D000] =	vst v63  }
0x5b: {  	_ =	swait.ge [sflag:s30], $0x4000  }
0x5c: {  	[sflag:s30] =	ssyncset.done $0x0  }
0x5d: {  	[sflag:s30] =	ssyncadd.s32 $0xFFFFC000  }
.LBB2_1:
0x5e: {  	[tilespmem:s3], [sflag:$0x2] =	stream.linear.gather [hbm4b:s10+s3], $0x2780, $0x38;
	[tilespmem:$0x1D000] =	vst v63  }
0x5f: {  	_ =	swait.ge [sflag:s30], $0x2780  }
0x60: {  	[sflag:s30] =	ssyncset.done $0x0  }
.Ltmp2:
0x61: {  	s9 =	simm.s32 $0x2800;
	[sflag:s30] =	ssyncadd.s32 $0xFFFFD880;
	(pc) =	sbr.rel @!p0 .LBB2_2-.Ltmp2, $4  }
0x62: {  	[tilespmem:s9], [sflag:$0x2] =	stream.linear.gather [hbm4b:s11+s3], $0x2780, $0x38;
	[tilespmem:$0x1D000] =	vst v63  }
0x63: {  	_ =	swait.ge [sflag:s30], $0x2780  }
0x64: {  	[sflag:s30] =	ssyncset.done $0x0  }
0x65: {  	s9 =	simm.s32 $0x0;
	[sflag:s30] =	ssyncadd.s32 $0xFFFFD880  }
0x66: {  	s23 =	rddreg [dreg:$0x19]  }
0x67: {  	[tilespmem:s31], [sflag:$0x2] =	stream.linear.gather [hbm4b:s23+s9], $0x4000, $0x38;
	[tilespmem:$0x1D000] =	vst v63  }
0x68: {  	_ =	swait.ge [sflag:s30], $0x4000  }
0x69: {  	[sflag:s30] =	ssyncset.done $0x0  }
0x6a: {  	[sflag:s30] =	ssyncadd.s32 $0xFFFFC000  }
0x6b: {  	[spmem:s14] =	stream.linear.scatter [tilespmem:s31], [sflag:$0x2], $0x4000, $0x38;
	[tilespmem:$0x1D000] =	vst v63  }
0x6c: {  	_ =	swait.ge [sflag:s30], $0x4000  }
0x6d: {  	[sflag:s30] =	ssyncset.done $0x0  }
0x6e: {  	s24 =	rddreg [dreg:$0x1a];
	[sflag:s30] =	ssyncadd.s32 $0xFFFFC000  }
0x6f: {  	[tilespmem:s31], [sflag:$0x2] =	stream.linear.gather [hbm4b:s24+s9], $0x4000, $0x38;
	[tilespmem:$0x1D000] =	vst v63  }
0x70: {  	_ =	swait.ge [sflag:s30], $0x4000  }
0x71: {  	[sflag:s30] =	ssyncset.done $0x0  }
0x72: {  	[sflag:s30] =	ssyncadd.s32 $0xFFFFC000  }
0x73: {  	[spmem:s16] =	stream.linear.scatter [tilespmem:s31], [sflag:$0x2], $0x4000, $0x38;
	[tilespmem:$0x1D000] =	vst v63  }
0x74: {  	_ =	swait.ge [sflag:s30], $0x4000  }
0x75: {  	[sflag:s30] =	ssyncset.done $0x0  }
0x76: {  	s25 =	rddreg [dreg:$0x1b];
	[sflag:s30] =	ssyncadd.s32 $0xFFFFC000  }
0x77: {  	[tilespmem:s31], [sflag:$0x2] =	stream.linear.gather [hbm4b:s25+s9], $0x4000, $0x38;
	[tilespmem:$0x1D000] =	vst v63  }
0x78: {  	_ =	swait.ge [sflag:s30], $0x4000  }
0x79: {  	[sflag:s30] =	ssyncset.done $0x0  }
0x7a: {  	[sflag:s30] =	ssyncadd.s32 $0xFFFFC000  }
0x7b: {  	[spmem:s18] =	stream.linear.scatter [tilespmem:s31], [sflag:$0x2], $0x4000, $0x38;
	[tilespmem:$0x1D000] =	vst v63  }
0x7c: {  	_ =	swait.ge [sflag:s30], $0x4000  }
0x7d: {  	[sflag:s30] =	ssyncset.done $0x0  }
0x7e: {  	s24 =	rddreg [dreg:$0x1c];
	[sflag:s30] =	ssyncadd.s32 $0xFFFFC000  }
0x7f: {  	[tilespmem:s31], [sflag:$0x2] =	stream.linear.gather [hbm4b:s24+s9], $0x4000, $0x38;
	[tilespmem:$0x1D000] =	vst v63  }
0x80: {  	_ =	swait.ge [sflag:s30], $0x4000  }
0x81: {  	[sflag:s30] =	ssyncset.done $0x0  }
0x82: {  	[sflag:s30] =	ssyncadd.s32 $0xFFFFC000  }
0x83: {  	[spmem:s20] =	stream.linear.scatter [tilespmem:s31], [sflag:$0x2], $0x4000, $0x38;
	[tilespmem:$0x1D000] =	vst v63  }
0x84: {  	_ =	swait.ge [sflag:s30], $0x4000  }
0x85: {  	[sflag:s30] =	ssyncset.done $0x0  }
0x86: {  	s25 =	rddreg [dreg:$0x1d];
	[sflag:s30] =	ssyncadd.s32 $0xFFFFC000  }
0x87: {  	[tilespmem:s31], [sflag:$0x2] =	stream.linear.gather [hbm4b:s25+s9], $0x4000, $0x38;
	[tilespmem:$0x1D000] =	vst v63  }
0x88: {  	_ =	swait.ge [sflag:s30], $0x4000  }
0x89: {  	[sflag:s30] =	ssyncset.done $0x0  }
0x8a: {  	[sflag:s30] =	ssyncadd.s32 $0xFFFFC000  }
0x8b: {  	[spmem:s22] =	stream.linear.scatter [tilespmem:s31], [sflag:$0x2], $0x4000, $0x38;
	[tilespmem:$0x1D000] =	vst v63  }
0x8c: {  	_ =	swait.ge [sflag:s30], $0x4000  }
0x8d: {  	[sflag:s30] =	ssyncset.done $0x0  }
0x8e: {  	[sflag:s30] =	ssyncadd.s32 $0xFFFFC000  }
0x8f: {  	s24 =	simm.s32 $0x0;
	[bflag:$0x0] =	sbarrier.arrive $0xFFFF  }
0x90: {  	[tilespmem:s31], [sflag:$0x1] =	stream.indirect.gather [hbm4b:s6+s0], $0x80, s24, s0, $0xb8;
	[tilespmem:$0x1D000] =	vst v63  }
0x91: {  	_ =	swait.ge [sflag:s2], $0x4000  }
0x92: {  	[sflag:s2] =	ssyncset.done $0x0  }
0x93: {  	s25 =	simm.s32 $0x2800;
	[sflag:s2] =	ssyncadd.s32 $0xFFFFC000  }
0x94: {  	[spmem:s1] =	stream.indirect.scatter.add.f32 [tilespmem:s31], [sflag:$0x2], $0x80, s25, s0, $0xb8;
	[tilespmem:$0x1D000] =	vst v63  }
0x95: {  	_ =	swait.ge [sflag:s30], $0x4000  }
0x96: {  	s23 =	simm.s32 $0x400;
	s9 =	simm.s32 $0x200;
	[sflag:s30] =	ssyncset.done $0x0  }
.LBB2_8:
0x97: {  	s24 =	sshra.s32 s9, $0x2  }
0x98: {  	[sflag:s30] =	ssyncadd.s32 $0xFFFFC000;
	s9 =	smov.u32 s23;
	s25 =	sadd.s32 $0x200, s23  }
0x99: {  	[tilespmem:s31], [sflag:$0x1] =	stream.indirect.gather [hbm4b:s6+s0], $0x80, s24, s0, $0xb8;
	[tilespmem:$0x1D000] =	vst v63  }
0x9a: {  	p1 =	sne.s32 s23, $0x9C00;
	_ =	swait.ge [sflag:s2], $0x4000  }
.Ltmp3:
0x9b: {  	[sflag:s2] =	ssyncset.done $0x0;
	(pc) =	sbr.rel @p1 .LBB2_8-.Ltmp3, $4  }
0x9c: {  	s23 =	sadd.s32 $0x2800, s24;
	[sflag:s2] =	ssyncadd.s32 $0xFFFFC000  }
0x9d: {  	[spmem:s1] =	stream.indirect.scatter.add.f32 [tilespmem:s31], [sflag:$0x2], $0x80, s23, s0, $0xb8;
	[tilespmem:$0x1D000] =	vst v63  }
0x9e: {  	_ =	swait.ge [sflag:s30], $0x4000  }
0x9f: {  	s23 =	smov.u32 s25;
	[sflag:s30] =	ssyncset.done $0x0  }
0xa0: {  	s9 =	sshra.s32 s9, $0x2;
	[sflag:s30] =	ssyncadd.s32 $0xFFFFC000  }
0xa1: {  	[tilespmem:s31], [sflag:$0x1] =	stream.indirect.gather [hbm4b:s6+s0], $0x80, s9, s0, $0xb8;
	[tilespmem:$0x1D000] =	vst v63  }
0xa2: {  	_ =	swait.ge [sflag:s2], $0x4000  }
0xa3: {  	[sflag:s2] =	ssyncset.done $0x0  }
0xa4: {  	s9 =	sadd.s32 $0x2800, s9;
	[sflag:s2] =	ssyncadd.s32 $0xFFFFC000  }
0xa5: {  	[spmem:s1] =	stream.indirect.scatter.add.f32 [tilespmem:s31], [sflag:$0x2], $0x80, s9, s0, $0xb8;
	[tilespmem:$0x1D000] =	vst v63  }
0xa6: {  	_ =	swait.ge [sflag:s30], $0x4000  }
0xa7: {  	[sflag:s30] =	ssyncset.done $0x0  }
0xa8: {  	[sflag:s30] =	ssyncadd.s32 $0xFFFFC000  }
0xa9: {  	[bflag:$0x0] =	sbarrier.arrive $0xFFFF  }
0xaa: {  	[tilespmem:s31], [sflag:$0x2] =	stream.linear.gather [spmem:s14], $0x4000, $0x38;
	[tilespmem:$0x1D000] =	vst v63  }
0xab: {  	_ =	swait.ge [sflag:s30], $0x4000  }
0xac: {  	[sflag:s30] =	ssyncset.done $0x0  }
0xad: {  	s9 =	simm.s32 $0x0;
	s23 =	rddreg [dreg:$0xa];
	[sflag:s30] =	ssyncadd.s32 $0xFFFFC000  }
0xae: {  	[hbm4b:s23+s9] =	stream.linear.scatter [tilespmem:s31], [sflag:$0x2], $0x4000, $0x38;
	[tilespmem:$0x1D000] =	vst v63  }
0xaf: {  	_ =	swait.ge [sflag:s30], $0x4000  }
0xb0: {  	[sflag:s30] =	ssyncset.done $0x0  }
0xb1: {  	[sflag:s30] =	ssyncadd.s32 $0xFFFFC000  }
0xb2: {  	[tilespmem:s31], [sflag:$0x2] =	stream.linear.gather [spmem:s16], $0x4000, $0x38;
	[tilespmem:$0x1D000] =	vst v63  }
0xb3: {  	_ =	swait.ge [sflag:s30], $0x4000  }
0xb4: {  	[sflag:s30] =	ssyncset.done $0x0  }
0xb5: {  	s24 =	rddreg [dreg:$0xb];
	[sflag:s30] =	ssyncadd.s32 $0xFFFFC000  }
0xb6: {  	[hbm4b:s24+s9] =	stream.linear.scatter [tilespmem:s31], [sflag:$0x2], $0x4000, $0x38;
	[tilespmem:$0x1D000] =	vst v63  }
0xb7: {  	_ =	swait.ge [sflag:s30], $0x4000  }
0xb8: {  	[sflag:s30] =	ssyncset.done $0x0  }
0xb9: {  	[sflag:s30] =	ssyncadd.s32 $0xFFFFC000  }
0xba: {  	[tilespmem:s31], [sflag:$0x2] =	stream.linear.gather [spmem:s18], $0x4000, $0x38;
	[tilespmem:$0x1D000] =	vst v63  }
0xbb: {  	_ =	swait.ge [sflag:s30], $0x4000  }
0xbc: {  	[sflag:s30] =	ssyncset.done $0x0  }
0xbd: {  	s25 =	rddreg [dreg:$0xc];
	[sflag:s30] =	ssyncadd.s32 $0xFFFFC000  }
0xbe: {  	[hbm4b:s25+s9] =	stream.linear.scatter [tilespmem:s31], [sflag:$0x2], $0x4000, $0x38;
	[tilespmem:$0x1D000] =	vst v63  }
0xbf: {  	_ =	swait.ge [sflag:s30], $0x4000  }
0xc0: {  	[sflag:s30] =	ssyncset.done $0x0  }
0xc1: {  	[sflag:s30] =	ssyncadd.s32 $0xFFFFC000  }
0xc2: {  	[tilespmem:s31], [sflag:$0x2] =	stream.linear.gather [spmem:s20], $0x4000, $0x38;
	[tilespmem:$0x1D000] =	vst v63  }
0xc3: {  	_ =	swait.ge [sflag:s30], $0x4000  }
0xc4: {  	[sflag:s30] =	ssyncset.done $0x0  }
0xc5: {  	s24 =	rddreg [dreg:$0xd];
	[sflag:s30] =	ssyncadd.s32 $0xFFFFC000  }
0xc6: {  	[hbm4b:s24+s9] =	stream.linear.scatter [tilespmem:s31], [sflag:$0x2], $0x4000, $0x38;
	[tilespmem:$0x1D000] =	vst v63  }
0xc7: {  	_ =	swait.ge [sflag:s30], $0x4000  }
0xc8: {  	[sflag:s30] =	ssyncset.done $0x0  }
0xc9: {  	[sflag:s30] =	ssyncadd.s32 $0xFFFFC000  }
0xca: {  	[tilespmem:s31], [sflag:$0x2] =	stream.linear.gather [spmem:s22], $0x4000, $0x38;
	[tilespmem:$0x1D000] =	vst v63  }
0xcb: {  	_ =	swait.ge [sflag:s30], $0x4000  }
0xcc: {  	[sflag:s30] =	ssyncset.done $0x0  }
0xcd: {  	s25 =	rddreg [dreg:$0xe];
	[sflag:s30] =	ssyncadd.s32 $0xFFFFC000  }
0xce: {  	[hbm4b:s25+s9] =	stream.linear.scatter [tilespmem:s31], [sflag:$0x2], $0x4000, $0x38;
	[tilespmem:$0x1D000] =	vst v63  }
0xcf: {  	_ =	swait.ge [sflag:s30], $0x4000  }
0xd0: {  	[sflag:s30] =	ssyncset.done $0x0  }
0xd1: {  	s24 =	rddreg [dreg:$0x1e];
	[sflag:s30] =	ssyncadd.s32 $0xFFFFC000  }
0xd2: {  	[tilespmem:s31], [sflag:$0x2] =	stream.linear.gather [hbm4b:s24+s9], $0x4000, $0x38;
	[tilespmem:$0x1D000] =	vst v63  }
0xd3: {  	_ =	swait.ge [sflag:s30], $0x4000  }
0xd4: {  	[sflag:s30] =	ssyncset.done $0x0  }
0xd5: {  	[sflag:s30] =	ssyncadd.s32 $0xFFFFC000  }
0xd6: {  	[spmem:s14] =	stream.linear.scatter [tilespmem:s31], [sflag:$0x2], $0x4000, $0x38;
	[tilespmem:$0x1D000] =	vst v63  }
0xd7: {  	_ =	swait.ge [sflag:s30], $0x4000  }
0xd8: {  	[sflag:s30] =	ssyncset.done $0x0  }
0xd9: {  	s25 =	rddreg [dreg:$0x1f];
	[sflag:s30] =	ssyncadd.s32 $0xFFFFC000  }
0xda: {  	[tilespmem:s31], [sflag:$0x2] =	stream.linear.gather [hbm4b:s25+s9], $0x4000, $0x38;
	[tilespmem:$0x1D000] =	vst v63  }
0xdb: {  	_ =	swait.ge [sflag:s30], $0x4000  }
0xdc: {  	[sflag:s30] =	ssyncset.done $0x0  }
0xdd: {  	[sflag:s30] =	ssyncadd.s32 $0xFFFFC000  }
0xde: {  	[spmem:s16] =	stream.linear.scatter [tilespmem:s31], [sflag:$0x2], $0x4000, $0x38;
	[tilespmem:$0x1D000] =	vst v63  }
0xdf: {  	_ =	swait.ge [sflag:s30], $0x4000  }
0xe0: {  	[sflag:s30] =	ssyncset.done $0x0  }
0xe1: {  	[sflag:s30] =	ssyncadd.s32 $0xFFFFC000  }
0xe2: {  	[tilespmem:s31], [sflag:$0x2] =	stream.linear.gather [hbm4b:s26+s9], $0x4000, $0x38;
	[tilespmem:$0x1D000] =	vst v63  }
0xe3: {  	_ =	swait.ge [sflag:s30], $0x4000  }
0xe4: {  	[sflag:s30] =	ssyncset.done $0x0  }
0xe5: {  	[sflag:s30] =	ssyncadd.s32 $0xFFFFC000  }
0xe6: {  	[spmem:s18] =	stream.linear.scatter [tilespmem:s31], [sflag:$0x2], $0x4000, $0x38;
	[tilespmem:$0x1D000] =	vst v63  }
0xe7: {  	_ =	swait.ge [sflag:s30], $0x4000  }
0xe8: {  	[sflag:s30] =	ssyncset.done $0x0  }
0xe9: {  	[sflag:s30] =	ssyncadd.s32 $0xFFFFC000  }
0xea: {  	[tilespmem:s31], [sflag:$0x2] =	stream.linear.gather [hbm4b:s28+s9], $0x4000, $0x38;
	[tilespmem:$0x1D000] =	vst v63  }
0xeb: {  	_ =	swait.ge [sflag:s30], $0x4000  }
0xec: {  	[sflag:s30] =	ssyncset.done $0x0  }
0xed: {  	[sflag:s30] =	ssyncadd.s32 $0xFFFFC000  }
0xee: {  	[spmem:s20] =	stream.linear.scatter [tilespmem:s31], [sflag:$0x2], $0x4000, $0x38;
	[tilespmem:$0x1D000] =	vst v63  }
0xef: {  	_ =	swait.ge [sflag:s30], $0x4000  }
0xf0: {  	[sflag:s30] =	ssyncset.done $0x0  }
0xf1: {  	[sflag:s30] =	ssyncadd.s32 $0xFFFFC000  }
0xf2: {  	[tilespmem:s31], [sflag:$0x2] =	stream.linear.gather [hbm4b:s29+s9], $0x4000, $0x38;
	[tilespmem:$0x1D000] =	vst v63  }
0xf3: {  	_ =	swait.ge [sflag:s30], $0x4000  }
0xf4: {  	[sflag:s30] =	ssyncset.done $0x0  }
0xf5: {  	[sflag:s30] =	ssyncadd.s32 $0xFFFFC000  }
0xf6: {  	[spmem:s22] =	stream.linear.scatter [tilespmem:s31], [sflag:$0x2], $0x4000, $0x38;
	[tilespmem:$0x1D000] =	vst v63  }
0xf7: {  	_ =	swait.ge [sflag:s30], $0x4000  }
0xf8: {  	[sflag:s30] =	ssyncset.done $0x0  }
0xf9: {  	[sflag:s30] =	ssyncadd.s32 $0xFFFFC000  }
0xfa: {  	s24 =	simm.s32 $0x0;
	[bflag:$0x0] =	sbarrier.arrive $0xFFFF  }
0xfb: {  	[tilespmem:s31], [sflag:$0x1] =	stream.indirect.gather [hbm4b:s7+s0], $0x80, s24, s0, $0xb8;
	[tilespmem:$0x1D000] =	vst v63  }
0xfc: {  	_ =	swait.ge [sflag:s2], $0x4000  }
0xfd: {  	[sflag:s2] =	ssyncset.done $0x0  }
0xfe: {  	s25 =	simm.s32 $0x2800;
	[sflag:s2] =	ssyncadd.s32 $0xFFFFC000  }
0xff: {  	[spmem:s1] =	stream.indirect.scatter.add.f32 [tilespmem:s31], [sflag:$0x2], $0x80, s25, s0, $0xb8;
	[tilespmem:$0x1D000] =	vst v63  }
0x100: {  	_ =	swait.ge [sflag:s30], $0x4000  }
0x101: {  	s23 =	simm.s32 $0x400;
	s9 =	simm.s32 $0x200;
	[sflag:s30] =	ssyncset.done $0x0  }
.LBB2_10:
0x102: {  	s24 =	sshra.s32 s9, $0x2  }
0x103: {  	[sflag:s30] =	ssyncadd.s32 $0xFFFFC000;
	s9 =	smov.u32 s23;
	s25 =	sadd.s32 $0x200, s23  }
0x104: {  	[tilespmem:s31], [sflag:$0x1] =	stream.indirect.gather [hbm4b:s7+s0], $0x80, s24, s0, $0xb8;
	[tilespmem:$0x1D000] =	vst v63  }
0x105: {  	p1 =	sne.s32 s23, $0x9C00;
	_ =	swait.ge [sflag:s2], $0x4000  }
.Ltmp4:
0x106: {  	[sflag:s2] =	ssyncset.done $0x0;
	(pc) =	sbr.rel @p1 .LBB2_10-.Ltmp4, $4  }
0x107: {  	s23 =	sadd.s32 $0x2800, s24;
	[sflag:s2] =	ssyncadd.s32 $0xFFFFC000  }
0x108: {  	[spmem:s1] =	stream.indirect.scatter.add.f32 [tilespmem:s31], [sflag:$0x2], $0x80, s23, s0, $0xb8;
	[tilespmem:$0x1D000] =	vst v63  }
0x109: {  	_ =	swait.ge [sflag:s30], $0x4000  }
0x10a: {  	s23 =	smov.u32 s25;
	[sflag:s30] =	ssyncset.done $0x0  }
.Ltmp5:
0x10b: {  	_ = 	snop;
	(pc) =	sbr.rel .LBB2_11-.Ltmp5, $1  }
0x10c: {  	_ =	sdelay $0x3  }
.LBB2_2:
0x10d: {  	s23 =	rddreg [dreg:$0xf]  }
0x10e: {  	[tilespmem:s31], [sflag:$0x2] =	stream.linear.gather [hbm4b:s23+s9], $0x4000, $0x38;
	[tilespmem:$0x1D000] =	vst v63  }
0x10f: {  	_ =	swait.ge [sflag:s30], $0x4000  }
0x110: {  	[sflag:s30] =	ssyncset.done $0x0  }
0x111: {  	[sflag:s30] =	ssyncadd.s32 $0xFFFFC000  }
0x112: {  	[spmem:s14] =	stream.linear.scatter [tilespmem:s31], [sflag:$0x2], $0x4000, $0x38;
	[tilespmem:$0x1D000] =	vst v63  }
0x113: {  	_ =	swait.ge [sflag:s30], $0x4000  }
0x114: {  	[sflag:s30] =	ssyncset.done $0x0  }
0x115: {  	s24 =	rddreg [dreg:$0x10];
	[sflag:s30] =	ssyncadd.s32 $0xFFFFC000  }
0x116: {  	[tilespmem:s31], [sflag:$0x2] =	stream.linear.gather [hbm4b:s24+s9], $0x4000, $0x38;
	[tilespmem:$0x1D000] =	vst v63  }
0x117: {  	_ =	swait.ge [sflag:s30], $0x4000  }
0x118: {  	[sflag:s30] =	ssyncset.done $0x0  }
0x119: {  	[sflag:s30] =	ssyncadd.s32 $0xFFFFC000  }
0x11a: {  	[spmem:s16] =	stream.linear.scatter [tilespmem:s31], [sflag:$0x2], $0x4000, $0x38;
	[tilespmem:$0x1D000] =	vst v63  }
0x11b: {  	_ =	swait.ge [sflag:s30], $0x4000  }
0x11c: {  	[sflag:s30] =	ssyncset.done $0x0  }
0x11d: {  	s25 =	rddreg [dreg:$0x11];
	[sflag:s30] =	ssyncadd.s32 $0xFFFFC000  }
0x11e: {  	[tilespmem:s31], [sflag:$0x2] =	stream.linear.gather [hbm4b:s25+s9], $0x4000, $0x38;
	[tilespmem:$0x1D000] =	vst v63  }
0x11f: {  	_ =	swait.ge [sflag:s30], $0x4000  }
0x120: {  	[sflag:s30] =	ssyncset.done $0x0  }
0x121: {  	[sflag:s30] =	ssyncadd.s32 $0xFFFFC000  }
0x122: {  	[spmem:s18] =	stream.linear.scatter [tilespmem:s31], [sflag:$0x2], $0x4000, $0x38;
	[tilespmem:$0x1D000] =	vst v63  }
0x123: {  	_ =	swait.ge [sflag:s30], $0x4000  }
0x124: {  	[sflag:s30] =	ssyncset.done $0x0  }
0x125: {  	s24 =	rddreg [dreg:$0x12];
	[sflag:s30] =	ssyncadd.s32 $0xFFFFC000  }
0x126: {  	[tilespmem:s31], [sflag:$0x2] =	stream.linear.gather [hbm4b:s24+s9], $0x4000, $0x38;
	[tilespmem:$0x1D000] =	vst v63  }
0x127: {  	_ =	swait.ge [sflag:s30], $0x4000  }
0x128: {  	[sflag:s30] =	ssyncset.done $0x0  }
0x129: {  	[sflag:s30] =	ssyncadd.s32 $0xFFFFC000  }
0x12a: {  	[spmem:s20] =	stream.linear.scatter [tilespmem:s31], [sflag:$0x2], $0x4000, $0x38;
	[tilespmem:$0x1D000] =	vst v63  }
0x12b: {  	_ =	swait.ge [sflag:s30], $0x4000  }
0x12c: {  	[sflag:s30] =	ssyncset.done $0x0  }
0x12d: {  	s25 =	rddreg [dreg:$0x13];
	[sflag:s30] =	ssyncadd.s32 $0xFFFFC000  }
0x12e: {  	[tilespmem:s31], [sflag:$0x2] =	stream.linear.gather [hbm4b:s25+s9], $0x4000, $0x38;
	[tilespmem:$0x1D000] =	vst v63  }
0x12f: {  	_ =	swait.ge [sflag:s30], $0x4000  }
0x130: {  	[sflag:s30] =	ssyncset.done $0x0  }
0x131: {  	[sflag:s30] =	ssyncadd.s32 $0xFFFFC000  }
0x132: {  	[spmem:s22] =	stream.linear.scatter [tilespmem:s31], [sflag:$0x2], $0x4000, $0x38;
	[tilespmem:$0x1D000] =	vst v63  }
0x133: {  	_ =	swait.ge [sflag:s30], $0x4000  }
0x134: {  	[sflag:s30] =	ssyncset.done $0x0  }
0x135: {  	[sflag:s30] =	ssyncadd.s32 $0xFFFFC000  }
0x136: {  	s24 =	simm.s32 $0x0;
	[bflag:$0x0] =	sbarrier.arrive $0xFFFF  }
0x137: {  	[tilespmem:s31], [sflag:$0x1] =	stream.indirect.gather [hbm4b:s4+s0], $0x80, s24, s0, $0xb8;
	[tilespmem:$0x1D000] =	vst v63  }
0x138: {  	_ =	swait.ge [sflag:s2], $0x4000  }
0x139: {  	[sflag:s2] =	ssyncset.done $0x0  }
0x13a: {  	s25 =	simm.s32 $0x2800;
	[sflag:s2] =	ssyncadd.s32 $0xFFFFC000  }
0x13b: {  	[spmem:s1] =	stream.indirect.scatter.add.f32 [tilespmem:s31], [sflag:$0x2], $0x80, s25, s0, $0xb8;
	[tilespmem:$0x1D000] =	vst v63  }
0x13c: {  	_ =	swait.ge [sflag:s30], $0x4000  }
0x13d: {  	s23 =	simm.s32 $0x400;
	s9 =	simm.s32 $0x200;
	[sflag:s30] =	ssyncset.done $0x0  }
.LBB2_3:
0x13e: {  	s24 =	sshra.s32 s9, $0x2  }
0x13f: {  	[sflag:s30] =	ssyncadd.s32 $0xFFFFC000;
	s9 =	smov.u32 s23;
	s25 =	sadd.s32 $0x200, s23  }
0x140: {  	[tilespmem:s31], [sflag:$0x1] =	stream.indirect.gather [hbm4b:s4+s0], $0x80, s24, s0, $0xb8;
	[tilespmem:$0x1D000] =	vst v63  }
0x141: {  	p1 =	sne.s32 s23, $0x9C00;
	_ =	swait.ge [sflag:s2], $0x4000  }
.Ltmp6:
0x142: {  	[sflag:s2] =	ssyncset.done $0x0;
	(pc) =	sbr.rel @p1 .LBB2_3-.Ltmp6, $4  }
0x143: {  	s23 =	sadd.s32 $0x2800, s24;
	[sflag:s2] =	ssyncadd.s32 $0xFFFFC000  }
0x144: {  	[spmem:s1] =	stream.indirect.scatter.add.f32 [tilespmem:s31], [sflag:$0x2], $0x80, s23, s0, $0xb8;
	[tilespmem:$0x1D000] =	vst v63  }
0x145: {  	_ =	swait.ge [sflag:s30], $0x4000  }
0x146: {  	s23 =	smov.u32 s25;
	[sflag:s30] =	ssyncset.done $0x0  }
0x147: {  	s9 =	sshra.s32 s9, $0x2;
	[sflag:s30] =	ssyncadd.s32 $0xFFFFC000  }
0x148: {  	[tilespmem:s31], [sflag:$0x1] =	stream.indirect.gather [hbm4b:s4+s0], $0x80, s9, s0, $0xb8;
	[tilespmem:$0x1D000] =	vst v63  }
0x149: {  	_ =	swait.ge [sflag:s2], $0x4000  }
0x14a: {  	[sflag:s2] =	ssyncset.done $0x0  }
0x14b: {  	s9 =	sadd.s32 $0x2800, s9;
	[sflag:s2] =	ssyncadd.s32 $0xFFFFC000  }
0x14c: {  	[spmem:s1] =	stream.indirect.scatter.add.f32 [tilespmem:s31], [sflag:$0x2], $0x80, s9, s0, $0xb8;
	[tilespmem:$0x1D000] =	vst v63  }
0x14d: {  	_ =	swait.ge [sflag:s30], $0x4000  }
0x14e: {  	[sflag:s30] =	ssyncset.done $0x0  }
0x14f: {  	[sflag:s30] =	ssyncadd.s32 $0xFFFFC000  }
0x150: {  	[bflag:$0x0] =	sbarrier.arrive $0xFFFF  }
0x151: {  	[tilespmem:s31], [sflag:$0x2] =	stream.linear.gather [spmem:s14], $0x4000, $0x38;
	[tilespmem:$0x1D000] =	vst v63  }
0x152: {  	_ =	swait.ge [sflag:s30], $0x4000  }
0x153: {  	[sflag:s30] =	ssyncset.done $0x0  }
0x154: {  	s9 =	simm.s32 $0x0;
	s23 =	rddreg [dreg:$0x5];
	[sflag:s30] =	ssyncadd.s32 $0xFFFFC000  }
0x155: {  	[hbm4b:s23+s9] =	stream.linear.scatter [tilespmem:s31], [sflag:$0x2], $0x4000, $0x38;
	[tilespmem:$0x1D000] =	vst v63  }
0x156: {  	_ =	swait.ge [sflag:s30], $0x4000  }
0x157: {  	[sflag:s30] =	ssyncset.done $0x0  }
0x158: {  	[sflag:s30] =	ssyncadd.s32 $0xFFFFC000  }
0x159: {  	[tilespmem:s31], [sflag:$0x2] =	stream.linear.gather [spmem:s16], $0x4000, $0x38;
	[tilespmem:$0x1D000] =	vst v63  }
0x15a: {  	_ =	swait.ge [sflag:s30], $0x4000  }
0x15b: {  	[sflag:s30] =	ssyncset.done $0x0  }
0x15c: {  	s25 =	rddreg [dreg:$0x6];
	[sflag:s30] =	ssyncadd.s32 $0xFFFFC000  }
0x15d: {  	[hbm4b:s25+s9] =	stream.linear.scatter [tilespmem:s31], [sflag:$0x2], $0x4000, $0x38;
	[tilespmem:$0x1D000] =	vst v63  }
0x15e: {  	_ =	swait.ge [sflag:s30], $0x4000  }
0x15f: {  	[sflag:s30] =	ssyncset.done $0x0  }
0x160: {  	[sflag:s30] =	ssyncadd.s32 $0xFFFFC000  }
0x161: {  	[tilespmem:s31], [sflag:$0x2] =	stream.linear.gather [spmem:s18], $0x4000, $0x38;
	[tilespmem:$0x1D000] =	vst v63  }
0x162: {  	_ =	swait.ge [sflag:s30], $0x4000  }
0x163: {  	[sflag:s30] =	ssyncset.done $0x0  }
0x164: {  	s24 =	rddreg [dreg:$0x7];
	[sflag:s30] =	ssyncadd.s32 $0xFFFFC000  }
0x165: {  	[hbm4b:s24+s9] =	stream.linear.scatter [tilespmem:s31], [sflag:$0x2], $0x4000, $0x38;
	[tilespmem:$0x1D000] =	vst v63  }
0x166: {  	_ =	swait.ge [sflag:s30], $0x4000  }
0x167: {  	[sflag:s30] =	ssyncset.done $0x0  }
0x168: {  	[sflag:s30] =	ssyncadd.s32 $0xFFFFC000  }
0x169: {  	[tilespmem:s31], [sflag:$0x2] =	stream.linear.gather [spmem:s20], $0x4000, $0x38;
	[tilespmem:$0x1D000] =	vst v63  }
0x16a: {  	_ =	swait.ge [sflag:s30], $0x4000  }
0x16b: {  	[sflag:s30] =	ssyncset.done $0x0  }
0x16c: {  	s25 =	rddreg [dreg:$0x8];
	[sflag:s30] =	ssyncadd.s32 $0xFFFFC000  }
0x16d: {  	[hbm4b:s25+s9] =	stream.linear.scatter [tilespmem:s31], [sflag:$0x2], $0x4000, $0x38;
	[tilespmem:$0x1D000] =	vst v63  }
0x16e: {  	_ =	swait.ge [sflag:s30], $0x4000  }
0x16f: {  	[sflag:s30] =	ssyncset.done $0x0  }
0x170: {  	[sflag:s30] =	ssyncadd.s32 $0xFFFFC000  }
0x171: {  	[tilespmem:s31], [sflag:$0x2] =	stream.linear.gather [spmem:s22], $0x4000, $0x38;
	[tilespmem:$0x1D000] =	vst v63  }
0x172: {  	_ =	swait.ge [sflag:s30], $0x4000  }
0x173: {  	[sflag:s30] =	ssyncset.done $0x0  }
0x174: {  	s24 =	rddreg [dreg:$0x9];
	[sflag:s30] =	ssyncadd.s32 $0xFFFFC000  }
0x175: {  	[hbm4b:s24+s9] =	stream.linear.scatter [tilespmem:s31], [sflag:$0x2], $0x4000, $0x38;
	[tilespmem:$0x1D000] =	vst v63  }
0x176: {  	_ =	swait.ge [sflag:s30], $0x4000  }
0x177: {  	[sflag:s30] =	ssyncset.done $0x0  }
0x178: {  	s25 =	rddreg [dreg:$0x14];
	[sflag:s30] =	ssyncadd.s32 $0xFFFFC000  }
0x179: {  	[tilespmem:s31], [sflag:$0x2] =	stream.linear.gather [hbm4b:s25+s9], $0x4000, $0x38;
	[tilespmem:$0x1D000] =	vst v63  }
0x17a: {  	_ =	swait.ge [sflag:s30], $0x4000  }
0x17b: {  	[sflag:s30] =	ssyncset.done $0x0  }
0x17c: {  	[sflag:s30] =	ssyncadd.s32 $0xFFFFC000  }
0x17d: {  	[spmem:s14] =	stream.linear.scatter [tilespmem:s31], [sflag:$0x2], $0x4000, $0x38;
	[tilespmem:$0x1D000] =	vst v63  }
0x17e: {  	_ =	swait.ge [sflag:s30], $0x4000  }
0x17f: {  	[sflag:s30] =	ssyncset.done $0x0  }
0x180: {  	s24 =	rddreg [dreg:$0x15];
	[sflag:s30] =	ssyncadd.s32 $0xFFFFC000  }
0x181: {  	[tilespmem:s31], [sflag:$0x2] =	stream.linear.gather [hbm4b:s24+s9], $0x4000, $0x38;
	[tilespmem:$0x1D000] =	vst v63  }
0x182: {  	_ =	swait.ge [sflag:s30], $0x4000  }
0x183: {  	[sflag:s30] =	ssyncset.done $0x0  }
0x184: {  	[sflag:s30] =	ssyncadd.s32 $0xFFFFC000  }
0x185: {  	[spmem:s16] =	stream.linear.scatter [tilespmem:s31], [sflag:$0x2], $0x4000, $0x38;
	[tilespmem:$0x1D000] =	vst v63  }
0x186: {  	_ =	swait.ge [sflag:s30], $0x4000  }
0x187: {  	[sflag:s30] =	ssyncset.done $0x0  }
0x188: {  	s25 =	rddreg [dreg:$0x16];
	[sflag:s30] =	ssyncadd.s32 $0xFFFFC000  }
0x189: {  	[tilespmem:s31], [sflag:$0x2] =	stream.linear.gather [hbm4b:s25+s9], $0x4000, $0x38;
	[tilespmem:$0x1D000] =	vst v63  }
0x18a: {  	_ =	swait.ge [sflag:s30], $0x4000  }
0x18b: {  	[sflag:s30] =	ssyncset.done $0x0  }
0x18c: {  	[sflag:s30] =	ssyncadd.s32 $0xFFFFC000  }
0x18d: {  	[spmem:s18] =	stream.linear.scatter [tilespmem:s31], [sflag:$0x2], $0x4000, $0x38;
	[tilespmem:$0x1D000] =	vst v63  }
0x18e: {  	_ =	swait.ge [sflag:s30], $0x4000  }
0x18f: {  	[sflag:s30] =	ssyncset.done $0x0  }
0x190: {  	s24 =	rddreg [dreg:$0x17];
	[sflag:s30] =	ssyncadd.s32 $0xFFFFC000  }
0x191: {  	[tilespmem:s31], [sflag:$0x2] =	stream.linear.gather [hbm4b:s24+s9], $0x4000, $0x38;
	[tilespmem:$0x1D000] =	vst v63  }
0x192: {  	_ =	swait.ge [sflag:s30], $0x4000  }
0x193: {  	[sflag:s30] =	ssyncset.done $0x0  }
0x194: {  	[sflag:s30] =	ssyncadd.s32 $0xFFFFC000  }
0x195: {  	[spmem:s20] =	stream.linear.scatter [tilespmem:s31], [sflag:$0x2], $0x4000, $0x38;
	[tilespmem:$0x1D000] =	vst v63  }
0x196: {  	_ =	swait.ge [sflag:s30], $0x4000  }
0x197: {  	[sflag:s30] =	ssyncset.done $0x0  }
0x198: {  	s25 =	rddreg [dreg:$0x18];
	[sflag:s30] =	ssyncadd.s32 $0xFFFFC000  }
0x199: {  	[tilespmem:s31], [sflag:$0x2] =	stream.linear.gather [hbm4b:s25+s9], $0x4000, $0x38;
	[tilespmem:$0x1D000] =	vst v63  }
0x19a: {  	_ =	swait.ge [sflag:s30], $0x4000  }
0x19b: {  	[sflag:s30] =	ssyncset.done $0x0  }
0x19c: {  	[sflag:s30] =	ssyncadd.s32 $0xFFFFC000  }
0x19d: {  	[spmem:s22] =	stream.linear.scatter [tilespmem:s31], [sflag:$0x2], $0x4000, $0x38;
	[tilespmem:$0x1D000] =	vst v63  }
0x19e: {  	_ =	swait.ge [sflag:s30], $0x4000  }
0x19f: {  	[sflag:s30] =	ssyncset.done $0x0  }
0x1a0: {  	[sflag:s30] =	ssyncadd.s32 $0xFFFFC000  }
0x1a1: {  	s24 =	simm.s32 $0x0;
	[bflag:$0x0] =	sbarrier.arrive $0xFFFF  }
0x1a2: {  	[tilespmem:s31], [sflag:$0x1] =	stream.indirect.gather [hbm4b:s5+s0], $0x80, s24, s0, $0xb8;
	[tilespmem:$0x1D000] =	vst v63  }
0x1a3: {  	_ =	swait.ge [sflag:s2], $0x4000  }
0x1a4: {  	[sflag:s2] =	ssyncset.done $0x0  }
0x1a5: {  	s25 =	simm.s32 $0x2800;
	[sflag:s2] =	ssyncadd.s32 $0xFFFFC000  }
0x1a6: {  	[spmem:s1] =	stream.indirect.scatter.add.f32 [tilespmem:s31], [sflag:$0x2], $0x80, s25, s0, $0xb8;
	[tilespmem:$0x1D000] =	vst v63  }
0x1a7: {  	_ =	swait.ge [sflag:s30], $0x4000  }
0x1a8: {  	s23 =	simm.s32 $0x400;
	s9 =	simm.s32 $0x200;
	[sflag:s30] =	ssyncset.done $0x0  }
.LBB2_5:
0x1a9: {  	s24 =	sshra.s32 s9, $0x2  }
0x1aa: {  	[sflag:s30] =	ssyncadd.s32 $0xFFFFC000;
	s9 =	smov.u32 s23;
	s25 =	sadd.s32 $0x200, s23  }
0x1ab: {  	[tilespmem:s31], [sflag:$0x1] =	stream.indirect.gather [hbm4b:s5+s0], $0x80, s24, s0, $0xb8;
	[tilespmem:$0x1D000] =	vst v63  }
0x1ac: {  	p1 =	seq.s32 s23, $0x9C00;
	_ =	swait.ge [sflag:s2], $0x4000  }
.Ltmp7:
0x1ad: {  	[sflag:s2] =	ssyncset.done $0x0;
	(pc) =	sbr.rel @!p1 .LBB2_5-.Ltmp7, $4  }
0x1ae: {  	s23 =	sadd.s32 $0x2800, s24;
	[sflag:s2] =	ssyncadd.s32 $0xFFFFC000  }
0x1af: {  	[spmem:s1] =	stream.indirect.scatter.add.f32 [tilespmem:s31], [sflag:$0x2], $0x80, s23, s0, $0xb8;
	[tilespmem:$0x1D000] =	vst v63  }
0x1b0: {  	_ =	swait.ge [sflag:s30], $0x4000  }
0x1b1: {  	s23 =	smov.u32 s25;
	[sflag:s30] =	ssyncset.done $0x0  }
0x1b2: {  	s9 =	sshra.s32 s9, $0x2;
	[sflag:s30] =	ssyncadd.s32 $0xFFFFC000  }
0x1b3: {  	[tilespmem:s31], [sflag:$0x1] =	stream.indirect.gather [hbm4b:s5+s0], $0x80, s9, s0, $0xb8;
	[tilespmem:$0x1D000] =	vst v63  }
0x1b4: {  	_ =	swait.ge [sflag:s2], $0x4000  }
0x1b5: {  	[sflag:s2] =	ssyncset.done $0x0  }
.Ltmp8:
0x1b6: {  	s9 =	sadd.s32 $0x2800, s9;
	[sflag:s2] =	ssyncadd.s32 $0xFFFFC000;
	(pc) =	sbr.rel .LBB2_12-.Ltmp8, $4  }
0x1b7: {  	[spmem:s1] =	stream.indirect.scatter.add.f32 [tilespmem:s31], [sflag:$0x2], $0x80, s9, s0, $0xb8;
	[tilespmem:$0x1D000] =	vst v63  }
0x1b8: {  	_ =	swait.ge [sflag:s30], $0x4000  }
0x1b9: {  	[sflag:s30] =	ssyncset.done $0x0  }
0x1ba: {  	s9 =	rddreg [dreg:$0x3];
	[sflag:s30] =	ssyncadd.s32 $0xFFFFC000  }
.LBB2_13:
0x1bb: {  	_ =	sfence.sel $0x180000  }
0x1bc: {  	[bflag:$0x0] =	sbarrier.arrive $0xFFFF  }
0x1bd: {  	_ =	strace $0x9000004A  }
0x1be: {  	s0 =	stileid.u32;
	[bflag:$0x2] =	sbarrier.arrive $0xFFFF  }
0x1bf: {  	p0 =	sne.s32 s0, $0x0;
	s0 =	rddreg [dreg:$0x2]  }
0x1c0: {  	s0 =	sadd.s32 @!p0 $0x100000, s0  }
0x1c1: {  	[sflag:s0] =	ssyncadd.tile.s32 @!p0 $0x1;
	_ =	shalt  }
.Lfunc_end2:
_tile_overlayer_lowered:
.L_overlay_start_2:
0x1c2: {  	(tag) =	ssettag $0x2  }
0x1c3: {  	s0 =	rddreg [dreg:$0x0];
	s2 =	stileid.u32  }
0x1c4: {  	s1 =	rddreg [dreg:$0x1];
	p0 =	sne.s32 s2, $0x0  }
0x1c5: {  	s3 =	rddreg [dreg:$0x2];
	[bflag:$0x3] =	sbarrier.arrive $0xFFFF;
	s2 =	simm.s32 @!p0 $0x1C02  }
0x1c6: {  	[timem:s3], [sflag:s2] =	dma.local @!p0 [hbm:s0], s1  }
0x1c7: {  	s0 =	simm.s32 @!p0 $0x2  }
0x1c8: {  	_ =	swait.ge @!p0 [sflag:s0], s1  }
0x1c9: {  	s1 =	ssub.s32 @!p0 $0x0, s1;
	[sflag:s0] =	ssyncset.done @!p0 $0x0  }
0x1ca: {  	[sflag:s0] =	ssyncadd.s32 @!p0 s1  }
0x1cb: {  	[bflag:$0x3] =	sbarrier.arrive $0xFFFF  }
0x1cc: {  	_ =	shalt  }

// kernel: kernel.7.cloned.1.call-start
scs
__scs_entry_jumppad:
0x0: {  	(pc) =	sbr.rel $0x88, $3  }
0x1: {  	(tag) =	ssettag $0x0;
	lr =	simm.s32 $0x1  }
0x2: {  	[smem:$0x3F99] =	sst lr;
	_ =	strace $0xD0000000  }
0x3: {  	_ = 	snop  }
0x4: {  	_ = 	snop  }
0x5: {  	_ = 	snop  }
0x6: {  	_ = 	snop  }
0x7: {  	_ = 	snop  }
__scs_overlays_trampoline_lowered:
0x8: {  	[smem:$0x3FA8] =	sst s0  }
0x9: {  	[smem:$0x3FA9] =	sst s1  }
0xa: {  	[smem:$0x3FAA] =	sst s2  }
0xb: {  	[smem:$0x3FAB] =	sst s3  }
0xc: {  	[smem:$0x3FAC] =	sst s4  }
0xd: {  	[smem:$0x3FAD] =	sst s5  }
0xe: {  	[smem:$0x3FAE] =	sst s6  }
0xf: {  	[smem:$0x3FAF] =	sst s7  }
0x10: {  	[smem:$0x3FB0] =	sst s8  }
0x11: {  	[smem:$0x3FB1] =	sst s9;
	s0 =	simm.s32 @!p0 $0x0  }
0x12: {  	s1 =	sld [smem:$0x3F97];
	s0 =	simm.s32 @p0 $0x1  }
0x13: {  	[smem:$0x3FB2] =	sst s0;
	s0 =	simm.s32 @!p1 $0x0  }
0x14: {  	s2 =	sld [smem:$0x3F96];
	s0 =	simm.s32 @p1 $0x1  }
0x15: {  	[smem:$0x3FB3] =	sst s0;
	s0 =	simm.s32 @!p2 $0x0  }
0x16: {  	s3 =	sld [smem:$0x3FDB];
	s0 =	simm.s32 @p2 $0x1  }
0x17: {  	s4 =	simm.s32 $0x1BF5;
	[smem:$0x3FB5] =	sst s0  }
0x18: {  	s0 =	sld [smem:$0x3F98];
	_ =	swait.ge [sflag:s4], $0x0  }
0x19: {  	s7 =	sld [smem:$0x3F99]  }
0x1a: {  	s8 =	sadd.s32 $0xFFFFE003, lr  }
0x1b: {  	s9 =	sadd.s32 $0xFFFFFEF7, lr;
	s5 =	simm.s32 $0xFFFFFFFF;
	p2 =	slt.u32 s8, $0xFFFFF086  }
0x1c: {  	p1 =	slt.u32 s9, $0xF7A;
	s5 =	simm.s32 @!p2 $0x0  }
0x1d: {  	s5 =	simm.s32 @p1 $0x1;
	p0 =	seq.s32 s7, s2  }
0x1e: {  	s7 =	smul.u32 @!p0 $0xF7A, s2;
	p2 =	seq.s32 @!p0 s5, $0x0  }
0x1f: {  	s9 =	smul.u32 $0xF7A, s1;
	s8 =	simm.s32 @!p0 $0x1BF5;
	p2 =	por !p2, p0  }
0x20: {  	[sflag:s8] =	ssyncset.s32 @!p0 $0xFFFFF086;
	s6 =	sadd.s32 @!p0 s3, s7;
	s7 =	simm.s32 @!p0 $0x108  }
0x21: {  	s3 =	sadd.s32 s3, s9;
	s6 =	sadd.s32 @!p0 $0x88, s6;
	s7 =	simm.s32 @p2 $0x1082  }
0x22: {  	[simem:s7], [sflag:s8] =	dma.local @!p0 [hbm:s6], $0xF7A  }
0x23: {  	s9 =	sor.u32 $0xD0000000, s2;
	s6 =	simm.s32 $0x108;
	_ =	swait.ge @!p0 [sflag:s8], $0x0  }
0x24: {  	s3 =	sadd.s32 $0x88, s3;
	s6 =	simm.s32 @!p1 $0x1082;
	[sflag:s4] =	ssyncset.s32 $0xFFFFF086  }
0x25: {  	[simem:s6], [sflag:s4] =	dma.local [hbm:s3], $0xF7A  }
0x26: {  	[smem:$0x3F99] =	sst s1;
	(tag) =	ssettag s2;
	_ =	strace s9  }
0x27: {  	s1 =	sld [smem:$0x3FA9]  }
0x28: {  	s2 =	sld [smem:$0x3FAA]  }
0x29: {  	s4 =	sld [smem:$0x3FAC]  }
0x2a: {  	p0 =	seq.s32 s5, $0x0;
	s5 =	sld [smem:$0x3FAD]  }
0x2b: {  	s6 =	sld [smem:$0x3FAE]  }
0x2c: {  	s7 =	sld [smem:$0x3FAF]  }
0x2d: {  	s3 =	simm.s32 $0x108;
	s8 =	sld [smem:$0x3FB0]  }
0x2e: {  	s3 =	simm.s32 @!p0 $0x1082;
	s9 =	sld [smem:$0x3FB1]  }
0x2f: {  	lr =	sadd.s32 s0, s3;
	s0 =	sld [smem:$0x3FA8]  }
0x30: {  	s3 =	sld [smem:$0x3FAB]  }
0x31: {  	[smem:$0x3FB4] =	sst s10  }
0x32: {  	s10 =	sld [smem:$0x3FB2];
	_ =	sdelay $0x3  }
0x33: {  	p0 =	seq.s32 s10, $0x1;
	s10 =	sld [smem:$0x3FB4];
	_ =	sdelay $0x3  }
0x34: {  	[smem:$0x3FB4] =	sst s10  }
0x35: {  	s10 =	sld [smem:$0x3FB3];
	_ =	sdelay $0x3  }
0x36: {  	p1 =	seq.s32 s10, $0x1;
	s10 =	sld [smem:$0x3FB4];
	_ =	sdelay $0x3  }
0x37: {  	[smem:$0x3FB4] =	sst s10  }
0x38: {  	s10 =	sld [smem:$0x3FB5]  }
0x39: {  	_ = 	snop;
	(pc) =	sbr.ind lr, $3  }
0x3a: {  	_ = 	snop  }
0x3b: {  	_ = 	snop  }
0x3c: {  	p2 =	seq.s32 s10, $0x1;
	s10 =	sld [smem:$0x3FB4]  }
0x3d: {  	_ =	shalt  }
0x3e: {  	_ =	shalt  }
0x3f: {  	_ =	shalt  }
0x40: {  	_ =	shalt  }
0x41: {  	_ =	shalt  }
0x42: {  	_ =	shalt  }
0x43: {  	_ =	shalt  }
0x44: {  	_ =	shalt  }
0x45: {  	_ =	shalt  }
0x46: {  	_ =	shalt  }
0x47: {  	_ =	shalt  }
0x48: {  	_ =	shalt  }
0x49: {  	_ =	shalt  }
0x4a: {  	_ =	shalt  }
0x4b: {  	_ =	shalt  }
0x4c: {  	_ =	shalt  }
0x4d: {  	_ =	shalt  }
0x4e: {  	_ =	shalt  }
0x4f: {  	_ =	shalt  }
0x50: {  	_ =	shalt  }
0x51: {  	_ =	shalt  }
0x52: {  	_ =	shalt  }
0x53: {  	_ =	shalt  }
0x54: {  	_ =	shalt  }
0x55: {  	_ =	shalt  }
0x56: {  	_ =	shalt  }
0x57: {  	_ =	shalt  }
0x58: {  	_ =	shalt  }
0x59: {  	_ =	shalt  }
0x5a: {  	_ =	shalt  }
0x5b: {  	_ =	shalt  }
0x5c: {  	_ =	shalt  }
0x5d: {  	_ =	shalt  }
0x5e: {  	_ =	shalt  }
0x5f: {  	_ =	shalt  }
0x60: {  	_ =	shalt  }
0x61: {  	_ =	shalt  }
0x62: {  	_ =	shalt  }
0x63: {  	_ =	shalt  }
0x64: {  	_ =	shalt  }
0x65: {  	_ =	shalt  }
0x66: {  	_ =	shalt  }
0x67: {  	_ =	shalt  }
0x68: {  	_ =	shalt  }
0x69: {  	_ =	shalt  }
0x6a: {  	_ =	shalt  }
0x6b: {  	_ =	shalt  }
0x6c: {  	_ =	shalt  }
0x6d: {  	_ =	shalt  }
0x6e: {  	_ =	shalt  }
0x6f: {  	_ =	shalt  }
0x70: {  	_ =	shalt  }
0x71: {  	_ =	shalt  }
0x72: {  	_ =	shalt  }
0x73: {  	_ =	shalt  }
0x74: {  	_ =	shalt  }
0x75: {  	_ =	shalt  }
0x76: {  	_ =	shalt  }
0x77: {  	_ =	shalt  }
0x78: {  	_ =	shalt  }
0x79: {  	_ =	shalt  }
0x7a: {  	_ =	shalt  }
0x7b: {  	_ =	shalt  }
0x7c: {  	_ =	shalt  }
0x7d: {  	_ =	shalt  }
0x7e: {  	_ =	shalt  }
0x7f: {  	_ =	shalt  }
0x80: {  	_ =	shalt  }
0x81: {  	_ =	shalt  }
0x82: {  	_ =	shalt  }
0x83: {  	_ =	shalt  }
0x84: {  	_ =	shalt  }
0x85: {  	_ =	shalt  }
0x86: {  	_ =	shalt  }
0x87: {  	_ =	shalt  }
.Lfunc_end0:
.L_simem_size_0:
called_computation_lowered:
.L_overlay_start_0:
0x88: {  	s2 =	sld [smem:$0x3FD9]  }
0x89: {  	s3 =	sld [smem:$0x3FFE];
	_ =	sdelay $0x1  }
0x8a: {  	s1 =	srdreg.scid  }
0x8b: {  	s0 =	sand.u32 $0x1, s1  }
0x8c: {  	s16 =	sshll.u32 s0, $0xA;
	s2 =	sadd.s32 s3, s2  }
0x8d: {  	s2 =	sadd.s32 s2, s16  }
0x8e: {  	[smem:$0x3FC0] =	sst s2  }
0x8f: {  	_ = 	snop  }
0x90: {  	(tm) =	ssettm $0x1  }
0x91: {  	s17 =	sld [smem:$0x3FFB];
	_ =	sdelay $0x3  }
0x92: {  	_ =	strace s17  }
0x93: {  	s2 =	sld [smem:$0x3FFC];
	_ =	sdelay $0x3  }
0x94: {  	_ =	strace s2  }
0x95: {  	s2 =	sld [smem:$0x3FFD];
	_ =	sdelay $0x3  }
0x96: {  	_ =	strace s2  }
0x97: {  	_ =	strace $0x8FFFFFFF  }
0x98: {  	s18 =	sld [smem:$0x3FDB];
	_ =	sdelay $0x1  }
0x99: {  	s19 =	simm.s32 $_scs_section_size  }
0x9a: {  	s4 =	simm.s32 $_size__tile_overlayer_lowered;
	s5 =	simm.s32 $_tile_overlayer_lowered  }
0x9b: {  	s22 =	simm.s32 $0x1BFF;
	s21 =	sshll.u32 s5, $0x1;
	s2 =	sadd.s32 s19, s18  }
0x9c: {  	s6 =	simm.s32 $0x0;
	s20 =	sshll.u32 s4, $0x1;
	s4 =	sadd.s32 s21, s2  }
0x9d: {  	[timem:s6], [sflag:s22] =	dma.local [hbm:s4], s20  }
0x9e: {  	_ =	swait.ge [sflag:s22], s20  }
0x9f: {  	s3 =	ssub.s32 $0x0, s20;
	[sflag:s22] =	ssyncset.done $0x0  }
0xa0: {  	[sflag:s22] =	ssyncadd.s32 s3;
	_ =	sdelay $0x1  }
0xa1: {  	s23 =	simm.s32 $0x1B8B  }
0xa2: {  	_ =	swait.ge [sflag:s23], $0x1  }
0xa3: {  	[sflag:s23] =	ssyncset.done $0x0  }
0xa4: {  	s25 =	simm.s32 $0x1B8E;
	s24 =	sld [smem:$0x3FFE];
	[sflag:s23] =	ssyncadd.s32 $0xFFFFFFFF  }
0xa5: {  	s26 =	simm.s32 $execute0_lowered;
	[smem:$0x3FD2] =	sst s25  }
0xa6: {  	s4 =	sshll.u32 s26, $0x1;
	_ =	strace $0x80000046;
	[dreg:$0x1] =	wrdreg $0xFFFFFFFF  }
0xa7: {  	s28 =	simm.s32 $_size_execute0_lowered;
	s2 =	sadd.s32 s2, s4;
	[dreg:$0x0] =	wrdreg $0x0  }
0xa8: {  	s4 =	sshll.u32 s28, $0x1;
	[dreg:$0x2] =	wrdreg s2  }
0xa9: {  	[dreg:$0x3] =	wrdreg s4  }
0xaa: {  	[dreg:$0x4] =	wrdreg $0xC0  }
0xab: {  	_ =	task [dreg:s6], $0x5FFFF  }
0xac: {  	[dreg:$0x1] =	wrdreg $0xFFFFFFFF  }
0xad: {  	[dreg:$0x0] =	wrdreg $0x60  }
0xae: {  	[dreg:$0x2] =	wrdreg s24  }
0xaf: {  	[dreg:$0x3] =	wrdreg $0x54000  }
0xb0: {  	[dreg:$0x4] =	wrdreg $0x9  }
0xb1: {  	_ =	task.clear_ibuf [dreg:s6], $0x5FFFF;
	_ =	strace $0x90000046  }
0xb2: {  	s29 =	simm.s32 $0x9;
	_ =	strace $0x80000048  }
0xb3: {  	_ =	swait.ge [sflag:s29], $0x1  }
0xb4: {  	[sflag:s29] =	ssyncadd.s32 $0xFFFFFFFF  }
0xb5: {  	_ =	strace $0x90000048  }
0xb6: {  	_ =	sfence  }
0xb7: {  	s30 =	sld [smem:$0x0];
	_ =	sdelay $0x2  }
0xb8: {  	s31 =	sshll.u32 s1, $0xD;
	s1 =	sshrl.u32 s1, $0x2  }
0xb9: {  	s3 =	sand.u32 $0x4000, s31;
	s1 =	sadd.s32 s1, s30  }
0xba: {  	s0 =	sor.u32 s3, s0;
	s1 =	sshll.u32 s1, $0x11  }
0xbb: {  	s0 =	sor.u32 s1, s0  }
0xbc: {  	s0 =	sadd.s32 $0x8F2B, s0  }
0xbd: {  	[sflag:s0] =	ssyncadd.remote.s32 $0x1  }
0xbe: {  	_ =	sfence.sel $0xFFFF  }
0xbf: {  	[dreg:$0x0] =	wrdreg $0xFFFFFFFF;
	(pc) =	sbr.abs _section_cstart, $3  }
0xc0: {  	[dreg:$0x1] =	wrdreg $0xFFFFFFFF  }
0xc1: {  	_ =	task.clear_ibuf [dreg:s6], $0x2FFFF;
	_ =	strace $0x9FFFFFFF  }
0xc2: {  	(tm) =	ssettm $0x7FFFFFFF  }
0xc3: {  	_ =	shalt  }
tec
execute0_lowered:
.L_overlay_start_1:
0x0: {  	(tag) =	ssettag $0x1  }
0x1: {  	s0 =	srdreg.scid;
	s5 =	rddreg [dreg:$0x0]  }
0x2: {  	s2 =	rddreg [dreg:$0x1];
	s1 =	stileid.u32  }
0x3: {  	s3 =	simm.s32 $0x0;
	s22 =	simm.s32 $0x1;
	s23 =	simm.s32 $0x1400  }
0x4: {  	s24 =	simm.s32 $0x80;
	s25 =	simm.s32 $0x0;
	s9 =	smul.u32 $0x50000, s1  }
0x5: {  	s7 =	sand.u32 $0x1, s0;
	s0 =	rddreg [dreg:$0x2];
	s19 =	smul.u32 $0x280, s1  }
0x6: {  	[smem:$0x7FF] =	sst s3;
	s14 =	smul.u32 $0x2800, s1;
	s4 =	sshll.u32 s7, $0x4  }
0x7: {  	_ =	strace $0x80000047;
	s8 =	ssub.s32 $0x2, s7;
	p0 =	seq.s32 s7, $0x1  }
0x8: {  	s4 =	sor.u32 s1, s4;
	s10 =	sshrl.u32 s8, $0x1;
	s9 =	sshrl.u32 s9, $0x2  }
0x9: {  	s13 =	sadd.s32 $0x80, s19;
	s16 =	sadd.s32 $0x100, s19;
	s18 =	sadd.s32 $0x180, s19  }
0xa: {  	s19 =	sadd.s32 $0x200, s19;
	s4 =	smul.u32 $0x280, s4;
	s8 =	ssub.s32 s8, s10  }
.Ltmp0:
0xb: {  	s7 =	sadd.s32 s9, s2;
	s15 =	sshll.u32 s13, $0x4;
	(pc) =	sbr.rel .LBB2_1-.Ltmp0, $4  }
0xc: {  	s17 =	sshll.u32 s16, $0x4;
	s20 =	sshll.u32 s18, $0x4;
	s21 =	sshll.u32 s19, $0x4  }
0xd: {  	s8 =	smax.u32 s8, $0x1;
	s9 =	sadd.s32 $0x4000, s7;
	s10 =	sadd.s32 $0x8000, s7  }
0xe: {  	s11 =	sadd.s32 $0xC000, s7;
	s12 =	sadd.s32 $0x10000, s7;
	s6 =	sadd.s32 s4, s5  }
0xf: {  	v0 =	vimm.f32 $0.0e+00;
	v1 =	vimm.f32 $1.000000000e+00;
	s4 =	sadd.s32 $0x9200, s5;
	s5 =	sadd.s32 $0x31200, s5;
	s6 =	sadd.s32 $0x4200, s6  }
.LBB2_13:
0x10: {  	[sflag:s22] =	ssyncadd.s32 $0xFFFFF800;
	s26 =	smov.u32 s5  }
.LBB2_14:
0x11: {  	[bflag:$0x0] =	sbarrier.arrive $0xFFFF  }
0x12: {  	[tilespmem:s23], [sflag:$0x1] =	stream.linear.gather [spmem:s7], $0x4000, $0x38;
	[tilespmem:$0x7C00] =	vst v63  }
0x13: {  	_ =	swait.ge [sflag:s22], $0x4000  }
0x14: {  	[sflag:s22] =	ssyncset.done $0x0  }
0x15: {  	s28 =	sadd.s32 s26, s14;
	[sflag:s22] =	ssyncadd.s32 $0xFFFFC000  }
0x16: {  	[hbm4b:s28+s3] =	stream.linear.scatter [tilespmem:s23], [sflag:$0x1], $0x4000, $0x38;
	[tilespmem:$0x7C00] =	vst v63  }
0x17: {  	_ =	swait.ge [sflag:s22], $0x4000  }
0x18: {  	s30 =	sshll.u32 s13, $0x7;
	[sflag:s22] =	ssyncset.done $0x0  }
0x19: {  	s28 =	sadd.s32 s30, s2;
	[sflag:s22] =	ssyncadd.s32 $0xFFFFC000  }
0x1a: {  	[tilespmem:s23], [sflag:$0x1] =	stream.linear.gather [spmem:s28], $0x4000, $0x38;
	[tilespmem:$0x7C00] =	vst v63  }
0x1b: {  	_ =	swait.ge [sflag:s22], $0x4000  }
0x1c: {  	[sflag:s22] =	ssyncset.done $0x0  }
0x1d: {  	s31 =	sadd.s32 s26, s15;
	[sflag:s22] =	ssyncadd.s32 $0xFFFFC000  }
0x1e: {  	[hbm4b:s31+s3] =	stream.linear.scatter [tilespmem:s23], [sflag:$0x1], $0x4000, $0x38;
	[tilespmem:$0x7C00] =	vst v63  }
0x1f: {  	_ =	swait.ge [sflag:s22], $0x4000  }
0x20: {  	s29 =	sshll.u32 s16, $0x7;
	[sflag:s22] =	ssyncset.done $0x0  }
0x21: {  	s28 =	sadd.s32 s29, s2;
	[sflag:s22] =	ssyncadd.s32 $0xFFFFC000  }
0x22: {  	[tilespmem:s23], [sflag:$0x1] =	stream.linear.gather [spmem:s28], $0x4000, $0x38;
	[tilespmem:$0x7C00] =	vst v63  }
0x23: {  	_ =	swait.ge [sflag:s22], $0x4000  }
0x24: {  	[sflag:s22] =	ssyncset.done $0x0  }
0x25: {  	s30 =	sadd.s32 s26, s17;
	[sflag:s22] =	ssyncadd.s32 $0xFFFFC000  }
0x26: {  	[hbm4b:s30+s3] =	stream.linear.scatter [tilespmem:s23], [sflag:$0x1], $0x4000, $0x38;
	[tilespmem:$0x7C00] =	vst v63  }
0x27: {  	_ =	swait.ge [sflag:s22], $0x4000  }
0x28: {  	s31 =	sshll.u32 s18, $0x7;
	[sflag:s22] =	ssyncset.done $0x0  }
0x29: {  	s28 =	sadd.s32 s31, s2;
	[sflag:s22] =	ssyncadd.s32 $0xFFFFC000  }
0x2a: {  	[tilespmem:s23], [sflag:$0x1] =	stream.linear.gather [spmem:s28], $0x4000, $0x38;
	[tilespmem:$0x7C00] =	vst v63  }
0x2b: {  	_ =	swait.ge [sflag:s22], $0x4000  }
0x2c: {  	[sflag:s22] =	ssyncset.done $0x0  }
0x2d: {  	s29 =	sadd.s32 s26, s20;
	[sflag:s22] =	ssyncadd.s32 $0xFFFFC000  }
0x2e: {  	[hbm4b:s29+s3] =	stream.linear.scatter [tilespmem:s23], [sflag:$0x1], $0x4000, $0x38;
	[tilespmem:$0x7C00] =	vst v63  }
0x2f: {  	_ =	swait.ge [sflag:s22], $0x4000  }
0x30: {  	s30 =	sshll.u32 s19, $0x7;
	[sflag:s22] =	ssyncset.done $0x0  }
0x31: {  	s28 =	sadd.s32 s30, s2;
	[sflag:s22] =	ssyncadd.s32 $0xFFFFC000  }
0x32: {  	[tilespmem:s23], [sflag:$0x1] =	stream.linear.gather [spmem:s28], $0x4000, $0x38;
	[tilespmem:$0x7C00] =	vst v63  }
0x33: {  	s25 =	sadd.s32 $0x1, s25;
	_ =	swait.ge [sflag:s22], $0x4000  }
0x34: {  	p1 =	sne.s32 s25, s8;
	[sflag:s22] =	ssyncset.done $0x0  }
.Ltmp1:
0x35: {  	s31 =	sadd.s32 s26, s21;
	[sflag:s22] =	ssyncadd.s32 $0xFFFFC000;
	(pc) =	sbr.rel @!p1 .LBB2_15-.Ltmp1, $4  }
0x36: {  	[hbm4b:s31+s3] =	stream.linear.scatter [tilespmem:s23], [sflag:$0x1], $0x4000, $0x38;
	[tilespmem:$0x7C00] =	vst v63  }
0x37: {  	_ =	swait.ge [sflag:s22], $0x4000  }
0x38: {  	[sflag:s22] =	ssyncset.done $0x0  }
0x39: {  	[sflag:s22] =	ssyncadd.s32 $0xFFFFC000  }
.LBB2_1:
.Ltmp2:
0x3a: {  	(pc) =	sbr.rel @!p0 .LBB2_2-.Ltmp2, $4  }
0x3b: {  	[tilespmem:s3], [sflag:$0x1] =	stream.linear.gather [hbm4b:s6+s3], $0x1400, $0x38;
	[tilespmem:$0x7C00] =	vst v63  }
0x3c: {  	_ =	swait.ge [sflag:s22], $0x1400  }
0x3d: {  	[sflag:s22] =	ssyncset.done $0x0  }
0x3e: {  	s26 =	simm.s32 $0x200;
	s28 =	simm.s32 $0x0;
	[sflag:s22] =	ssyncadd.s32 $0xFFFFEC00  }
.LBB2_8:
0x3f: {  	p1 =	sne.s32 s26, $0xFE00;
	[tilespmem:s28+$0x1400] =	vst v0;
	s28 =	smov.u32 s26;
	s26 =	sadd.s32 $0x200, s26  }
.Ltmp3:
0x40: {  	(pc) =	sbr.rel @p1 .LBB2_8-.Ltmp3, $2  }
0x41: {  	_ =	sdelay $0x2  }
0x42: {  	s28 =	sshra.s32 s28, $0x2  }
0x43: {  	[tilespmem:s28+$0x1400] =	vst v0  }
0x44: {  	[spmem:s7] =	stream.linear.scatter [tilespmem:s23], [sflag:$0x1], $0x4000, $0x38;
	[tilespmem:$0x7C00] =	vst v63  }
0x45: {  	_ =	swait.ge [sflag:s22], $0x4000  }
0x46: {  	[sflag:s22] =	ssyncset.done $0x0  }
0x47: {  	[sflag:s22] =	ssyncadd.s32 $0xFFFFC000  }
0x48: {  	[spmem:s9] =	stream.linear.scatter [tilespmem:s23], [sflag:$0x1], $0x4000, $0x38;
	[tilespmem:$0x7C00] =	vst v63  }
0x49: {  	_ =	swait.ge [sflag:s22], $0x4000  }
0x4a: {  	[sflag:s22] =	ssyncset.done $0x0  }
0x4b: {  	[sflag:s22] =	ssyncadd.s32 $0xFFFFC000  }
0x4c: {  	[spmem:s10] =	stream.linear.scatter [tilespmem:s23], [sflag:$0x1], $0x4000, $0x38;
	[tilespmem:$0x7C00] =	vst v63  }
0x4d: {  	_ =	swait.ge [sflag:s22], $0x4000  }
0x4e: {  	[sflag:s22] =	ssyncset.done $0x0  }
0x4f: {  	[sflag:s22] =	ssyncadd.s32 $0xFFFFC000  }
0x50: {  	[spmem:s11] =	stream.linear.scatter [tilespmem:s23], [sflag:$0x1], $0x4000, $0x38;
	[tilespmem:$0x7C00] =	vst v63  }
0x51: {  	_ =	swait.ge [sflag:s22], $0x4000  }
0x52: {  	[sflag:s22] =	ssyncset.done $0x0  }
0x53: {  	[sflag:s22] =	ssyncadd.s32 $0xFFFFC000  }
0x54: {  	[spmem:s12] =	stream.linear.scatter [tilespmem:s23], [sflag:$0x1], $0x4000, $0x38;
	[tilespmem:$0x7C00] =	vst v63  }
0x55: {  	_ =	swait.ge [sflag:s22], $0x4000  }
0x56: {  	[sflag:s22] =	ssyncset.done $0x0  }
0x57: {  	[sflag:s22] =	ssyncadd.s32 $0xFFFFC000  }
0x58: {  	s26 =	simm.s32 $0x200;
	s28 =	simm.s32 $0x0;
	[bflag:$0x0] =	sbarrier.arrive $0xFFFF  }
.LBB2_10:
0x59: {  	p1 =	sne.s32 s26, $0xFE00;
	[tilespmem:s28+$0x1400] =	vst v1;
	s28 =	smov.u32 s26;
	s26 =	sadd.s32 $0x200, s26  }
.Ltmp4:
0x5a: {  	(pc) =	sbr.rel @p1 .LBB2_10-.Ltmp4, $2  }
0x5b: {  	_ =	sdelay $0x2  }
0x5c: {  	s28 =	sshra.s32 s28, $0x2  }
0x5d: {  	[tilespmem:s28+$0x1400] =	vst v1;
	s26 =	simm.s32 $0x0  }
0x5e: {  	[spmem:s2] =	stream.indirect.scatter.add.f32 [tilespmem:s23], [sflag:$0x1], $0x10, s26, s24, $0xb8;
	[tilespmem:$0x7C00] =	vst v63  }
0x5f: {  	_ =	swait.ge [sflag:s22], $0x800  }
0x60: {  	s26 =	simm.s32 $0x200;
	[sflag:s22] =	ssyncset.done $0x0  }
.LBB2_12:
0x61: {  	s28 =	sshra.s32 s26, $0x2;
	[sflag:s22] =	ssyncadd.s32 $0xFFFFF800;
	p1 =	sne.s32 s26, $0x4E00  }
0x62: {  	[spmem:s2] =	stream.indirect.scatter.add.f32 [tilespmem:s23], [sflag:$0x1], $0x10, s28, s24, $0xb8;
	[tilespmem:$0x7C00] =	vst v63  }
.Ltmp5:
0x63: {  	_ = 	snop;
	(pc) =	sbr.rel @p1 .LBB2_12-.Ltmp5, $4  }
0x64: {  	_ = 	snop  }
0x65: {  	s26 =	sadd.s32 $0x200, s26  }
0x66: {  	_ =	swait.ge [sflag:s22], $0x800  }
0x67: {  	[sflag:s22] =	ssyncset.done $0x0  }
.Ltmp6:
0x68: {  	_ = 	snop;
	(pc) =	sbr.rel .LBB2_13-.Ltmp6, $1  }
0x69: {  	_ =	sdelay $0x3  }
.LBB2_2:
0x6a: {  	p1 =	sne.s32 s26, $0xFE00;
	[tilespmem:s28+$0x1400] =	vst v0;
	s28 =	smov.u32 s26;
	s26 =	sadd.s32 $0x200, s26  }
.Ltmp7:
0x6b: {  	(pc) =	sbr.rel @p1 .LBB2_2-.Ltmp7, $2  }
0x6c: {  	_ =	sdelay $0x2  }
0x6d: {  	s28 =	sshra.s32 s28, $0x2  }
0x6e: {  	[tilespmem:s28+$0x1400] =	vst v0  }
0x6f: {  	[spmem:s7] =	stream.linear.scatter [tilespmem:s23], [sflag:$0x1], $0x4000, $0x38;
	[tilespmem:$0x7C00] =	vst v63  }
0x70: {  	_ =	swait.ge [sflag:s22], $0x4000  }
0x71: {  	[sflag:s22] =	ssyncset.done $0x0  }
0x72: {  	[sflag:s22] =	ssyncadd.s32 $0xFFFFC000  }
0x73: {  	[spmem:s9] =	stream.linear.scatter [tilespmem:s23], [sflag:$0x1], $0x4000, $0x38;
	[tilespmem:$0x7C00] =	vst v63  }
0x74: {  	_ =	swait.ge [sflag:s22], $0x4000  }
0x75: {  	[sflag:s22] =	ssyncset.done $0x0  }
0x76: {  	[sflag:s22] =	ssyncadd.s32 $0xFFFFC000  }
0x77: {  	[spmem:s10] =	stream.linear.scatter [tilespmem:s23], [sflag:$0x1], $0x4000, $0x38;
	[tilespmem:$0x7C00] =	vst v63  }
0x78: {  	_ =	swait.ge [sflag:s22], $0x4000  }
0x79: {  	[sflag:s22] =	ssyncset.done $0x0  }
0x7a: {  	[sflag:s22] =	ssyncadd.s32 $0xFFFFC000  }
0x7b: {  	[spmem:s11] =	stream.linear.scatter [tilespmem:s23], [sflag:$0x1], $0x4000, $0x38;
	[tilespmem:$0x7C00] =	vst v63  }
0x7c: {  	_ =	swait.ge [sflag:s22], $0x4000  }
0x7d: {  	[sflag:s22] =	ssyncset.done $0x0  }
0x7e: {  	[sflag:s22] =	ssyncadd.s32 $0xFFFFC000  }
0x7f: {  	[spmem:s12] =	stream.linear.scatter [tilespmem:s23], [sflag:$0x1], $0x4000, $0x38;
	[tilespmem:$0x7C00] =	vst v63  }
0x80: {  	_ =	swait.ge [sflag:s22], $0x4000  }
0x81: {  	[sflag:s22] =	ssyncset.done $0x0  }
0x82: {  	[sflag:s22] =	ssyncadd.s32 $0xFFFFC000  }
0x83: {  	s26 =	simm.s32 $0x200;
	s28 =	simm.s32 $0x0;
	[bflag:$0x0] =	sbarrier.arrive $0xFFFF  }
.LBB2_4:
0x84: {  	p1 =	sne.s32 s26, $0xFE00;
	[tilespmem:s28+$0x1400] =	vst v1;
	s28 =	smov.u32 s26;
	s26 =	sadd.s32 $0x200, s26  }
.Ltmp8:
0x85: {  	(pc) =	sbr.rel @p1 .LBB2_4-.Ltmp8, $2  }
0x86: {  	_ =	sdelay $0x2  }
0x87: {  	s28 =	sshra.s32 s28, $0x2  }
0x88: {  	[tilespmem:s28+$0x1400] =	vst v1;
	s26 =	simm.s32 $0x0  }
0x89: {  	[spmem:s2] =	stream.indirect.scatter.add.f32 [tilespmem:s23], [sflag:$0x1], $0x10, s26, s24, $0xb8;
	[tilespmem:$0x7C00] =	vst v63  }
0x8a: {  	_ =	swait.ge [sflag:s22], $0x800  }
0x8b: {  	s26 =	simm.s32 $0x200;
	[sflag:s22] =	ssyncset.done $0x0  }
.LBB2_6:
0x8c: {  	s28 =	sshra.s32 s26, $0x2;
	[sflag:s22] =	ssyncadd.s32 $0xFFFFF800;
	p1 =	seq.s32 s26, $0x4E00  }
0x8d: {  	[spmem:s2] =	stream.indirect.scatter.add.f32 [tilespmem:s23], [sflag:$0x1], $0x10, s28, s24, $0xb8;
	[tilespmem:$0x7C00] =	vst v63  }
.Ltmp9:
0x8e: {  	_ = 	snop;
	(pc) =	sbr.rel @!p1 .LBB2_6-.Ltmp9, $4  }
0x8f: {  	_ = 	snop  }
0x90: {  	s26 =	sadd.s32 $0x200, s26  }
0x91: {  	_ =	swait.ge [sflag:s22], $0x800  }
0x92: {  	[sflag:s22] =	ssyncset.done $0x0  }
.Ltmp10:
0x93: {  	(pc) =	sbr.rel .LBB2_14-.Ltmp10, $2  }
0x94: {  	_ =	sdelay $0x2  }
0x95: {  	[sflag:s22] =	ssyncadd.s32 $0xFFFFF800;
	s26 =	smov.u32 s4  }
.LBB2_15:
0x96: {  	_ =	sfence.sel $0x180000  }
0x97: {  	[bflag:$0x0] =	sbarrier.arrive $0xFFFF  }
0x98: {  	p0 =	sne.s32 s1, $0x0;
	_ =	strace $0x90000047  }
0x99: {  	s0 =	sadd.s32 @!p0 $0x100000, s0;
	[bflag:$0x2] =	sbarrier.arrive $0xFFFF  }
0x9a: {  	[sflag:s0] =	ssyncadd.tile.s32 @!p0 $0x1;
	_ =	shalt  }
.Lfunc_end2:
_tile_overlayer_lowered:
.L_overlay_start_2:
0x9b: {  	(tag) =	ssettag $0x2  }
0x9c: {  	s0 =	rddreg [dreg:$0x0];
	s2 =	stileid.u32  }
0x9d: {  	s1 =	rddreg [dreg:$0x1];
	p0 =	sne.s32 s2, $0x0  }
0x9e: {  	s3 =	rddreg [dreg:$0x2];
	[bflag:$0x3] =	sbarrier.arrive $0xFFFF;
	s2 =	simm.s32 @!p0 $0x1C01  }
0x9f: {  	[timem:s3], [sflag:s2] =	dma.local @!p0 [hbm:s0], s1  }
0xa0: {  	s0 =	simm.s32 @!p0 $0x1  }
0xa1: {  	_ =	swait.ge @!p0 [sflag:s0], s1  }
0xa2: {  	s1 =	ssub.s32 @!p0 $0x0, s1;
	[sflag:s0] =	ssyncset.done @!p0 $0x0  }
0xa3: {  	[sflag:s0] =	ssyncadd.s32 @!p0 s1  }
0xa4: {  	[bflag:$0x3] =	sbarrier.arrive $0xFFFF  }
0xa5: {  	_ =	shalt  }

</sc_bundles>
